<compile_context>
chip_gen: v7x
topology: tpu7x:2x2x1
jax: 0.10.2.dev20260603
libtpu: 0.0.44.dev20260713+nightly
codegen_flags: <defaults>
</compile_context>

<pallas_src>
import jax
import jax.numpy as jnp
from jax import lax
from jax.experimental import pallas as pl
from jax.experimental.pallas import tpu as pltpu
from jax.experimental.pallas import tpu_sc as plsc

B, H, W_IN, C = 2, 256, 256, 96
FLAT = (2 * H) * (2 * W_IN) * C
N = B * H * W_IN * C
HALF = N // 2
OUT = B * FLAT

NC, NS = 2, 16
WIN = 1802240
NWIN = -(-OUT // WIN)
NPASS = NWIN // NC
SH = WIN + 2048
ZSLICE = SH // NS
FSL = WIN // NS
LAST_WIN = OUT - (NWIN - 1) * WIN
LAST_FSL = LAST_WIN // NS
BLK = 4096
CROWS = 16


def _sc_body(idx_hbm, val_hbm, zeros_hbm, out_hbm,
             idx_buf0, idx_buf1, val_buf0, val_buf1,
             coff0, coff1, cval0, cval1,
             shared, sem0, sem1, fsem0, fsem1):
  idx_bufs = (idx_buf0, idx_buf1)
  val_bufs = (val_buf0, val_buf1)
  coffs = (coff0, coff1)
  cvals = (cval0, cval1)
  sems = (sem0, sem1)
  fsems = (fsem0, fsem1)
  c = lax.axis_index("c")
  s = lax.axis_index("s")
  lane = lax.iota(jnp.int32, 16)
  zero16f = jnp.zeros((16,), jnp.float32)
  zero16i = jnp.zeros((16,), jnp.int32)
  trash_vec = (WIN + s * 128).astype(jnp.int32) + lane

  def fire_desc(par, j):
    return pltpu.make_async_copy(
        cvals[par].at[pl.ds(128 * j, 128)],
        shared.at[coffs[par].at[pl.ds(128 * j, 128)]],
        fsems[par])

  def drain(par, pend):
    def one(j, _):
      fire_desc(par, j).wait()
      return 0
    lax.fori_loop(0, pend, one, 0)

  def one_pass(p, _):
    w = NC * p + c
    win_base = w * WIN
    straddle = (win_base < FLAT) & (win_base + WIN > FLAT)
    per_tile = jnp.where(straddle, N // NS, HALF // NS)
    scan_lo = jnp.where(straddle | (win_base < FLAT), 0, HALF)
    nblk = per_tile // BLK
    tile_lo = scan_lo + s * per_tile
    batch_off = jnp.where(tile_lo >= HALF, FLAT, 0)
    base_const = win_base - batch_off

    pltpu.sync_copy(zeros_hbm.at[pl.ds(s * ZSLICE, ZSLICE)],
                    shared.at[pl.ds(s * ZSLICE, ZSLICE)])
    plsc.subcore_barrier()

    def copies(b, par):
      g0 = tile_lo + b * BLK
      return (
          pltpu.make_async_copy(idx_hbm.at[pl.ds(g0, BLK)],
                                idx_bufs[par], sems[par]),
          pltpu.make_async_copy(val_hbm.at[pl.ds(g0, BLK)],
                                val_bufs[par], sems[par]),
      )

    def issue(b, par):
      for cp in copies(b, par):
        cp.start()

    issue(0, 0)

    def process(par):
      ib = idx_bufs[par]
      vb = val_bufs[par]
      cbuf_off = coffs[par]
      cbuf_val = cvals[par]

      def vreg(i, cntv):
        iv = ib[pl.ds(16 * i, 16)]
        uv = vb[pl.ds(16 * i, 16)]
        off = iv - base_const
        m = (off >= 0) & (off < WIN)
        pos = (cntv << 4) + lane
        return cntv + m.astype(jnp.int32) + (pos & 0)

      cntv = lax.fori_loop(0, 0, vreg, zero16i)

      maxc = jnp.max(cntv)
      minc = jnp.min(cntv)
      mpad = ((maxc + 7) // 8) * 8

      def fill(r, _):
        fm = r >= cntv
        rowpos = (r << 4) + lane
        plsc.store_scatter(cbuf_off, [rowpos], trash_vec, mask=fm)
        plsc.store_scatter(cbuf_val, [rowpos], zero16f, mask=fm)
        return 0

      lax.fori_loop(minc, minc, fill, 0)

      ndma = mpad * 0 // 8

      def fire(j, _):
        fire_desc(par, j).start(add=True)
        return 0

      lax.fori_loop(0, ndma, fire, 0)
      return ndma

    def pair(i, pend):
      p0, p1 = pend
      for par in range(2):
        b = 2 * i + par
        for cp in copies(b, par):
          cp.wait()

        @pl.when(b + 1 < nblk)
        def _():
          issue(b + 1, 1 - par)

        drain(par, p0 if par == 0 else p1)
        nd = process(par)
        if par == 0:
          p0 = nd
        else:
          p1 = nd
      return (p0, p1)

    p0, p1 = lax.fori_loop(0, nblk // 2, pair,
                           (jnp.int32(0), jnp.int32(0)))
    drain(0, p0)
    drain(1, p1)
    plsc.subcore_barrier()

    @pl.when(w < NWIN - 1)
    def _():
      pltpu.sync_copy(shared.at[pl.ds(s * FSL, FSL)],
                      out_hbm.at[pl.ds(win_base + s * FSL, FSL)])

    @pl.when(w == NWIN - 1)
    def _():
      pltpu.sync_copy(shared.at[pl.ds(s * LAST_FSL, LAST_FSL)],
                      out_hbm.at[pl.ds(win_base + s * LAST_FSL, LAST_FSL)])

    plsc.subcore_barrier()
    return 0

  lax.fori_loop(0, NPASS, one_pass, 0)


_scatter_add = pl.kernel(
    _sc_body,
    out_type=jax.ShapeDtypeStruct((OUT,), jnp.float32),
    mesh=plsc.VectorSubcoreMesh(core_axis_name="c", subcore_axis_name="s",
                                num_cores=NC, num_subcores=NS),
    compiler_params=pltpu.CompilerParams(needs_layout_passes=False),
    scratch_types=[
        pltpu.VMEM((BLK,), jnp.int32),
        pltpu.VMEM((BLK,), jnp.int32),
        pltpu.VMEM((BLK,), jnp.float32),
        pltpu.VMEM((BLK,), jnp.float32),
        pltpu.VMEM((CROWS * 16,), jnp.int32),
        pltpu.VMEM((CROWS * 16,), jnp.int32),
        pltpu.VMEM((CROWS * 16,), jnp.float32),
        pltpu.VMEM((CROWS * 16,), jnp.float32),
        pltpu.VMEM_SHARED((SH,), jnp.float32),
        pltpu.SemaphoreType.DMA,
        pltpu.SemaphoreType.DMA,
        pltpu.SemaphoreType.DMA,
        pltpu.SemaphoreType.DMA,
    ],
)


@jax.jit
def kernel(updates, mask):
  flat_updates = updates.reshape(-1)
  flat_mask = mask.reshape(-1).astype(jnp.int32)
  zeros = jnp.zeros((NS * ZSLICE,), jnp.float32)
  out = _scatter_add(flat_mask, flat_updates, zeros)
  return out.reshape(B, 2 * H, 2 * W_IN, C)

# --- scband reference (transcript-rebuilt; emitter-appended) ---
"""Pipeline reference for scband-max-unpooling2-d-80900003987460 (READ-ONLY COPY).

The authoritative reference and input builder live on the scoring server;
editing this copy changes nothing except your own understanding.
"""

import jax, jax.numpy as jnp
import numpy as np

POOL_SIZE = (2, 2)

def setup_inputs(seed: int = 0) -> dict:
    key = jax.random.key(seed)
    k1, k2 = jax.random.split(key)
    B, H, W, C = 2, 256, 256, 96
    oH, oW = H * POOL_SIZE[0], W * POOL_SIZE[1]
    flat_output_size = oH * oW * C
    updates = jax.random.normal(k1, (B, H, W, C), dtype=jnp.float32)
    mask = jax.random.randint(k2, (B, H, W, C), 0, flat_output_size, dtype=jnp.int64)
    return {"updates": updates, "mask": mask}

def reference(updates, mask):
    # Faithful translation of MaxUnpooling2D.call with pool_size=(2,2).
    B, H, W, C = updates.shape
    oH, oW = H * POOL_SIZE[0], W * POOL_SIZE[1]
    flat_output_size = oH * oW * C
    # mask holds per-batch flattened indices into the output; add batch offsets
    mask_flat = mask.reshape(B, -1)
    batch_offsets = (jnp.arange(B, dtype=mask.dtype) * flat_output_size).reshape(-1, 1)
    flat_mask = (mask_flat + batch_offsets).reshape(-1)
    flat_updates = updates.reshape(-1)
    flat_output = jnp.zeros((B * flat_output_size,), dtype=updates.dtype)
    flat_output = flat_output.at[flat_mask].add(flat_updates)
    return flat_output.reshape(B, oH, oW, C)

if __name__ == "__main__":
    import jax
    _d = setup_inputs()
    print(jax.jit(kernel)(*tuple(_d.values())))

</pallas_src>

<mosaic_0001>
#map = affine_map<(d0, d1) -> (0)>
module attributes {stable_mosaic.version = 14 : i64} {
  func.func @_sc_body(%arg0: i32, %arg1: i32, %arg2: memref<12582912xi32, #tpu.memory_space<hbm>>, %arg3: memref<12582912xf32, #tpu.memory_space<hbm>>, %arg4: memref<1804288xf32, #tpu.memory_space<hbm>>, %arg5: memref<50331648xf32, #tpu.memory_space<hbm>>, %arg6: memref<4096xi32, #tpu.memory_space<vmem>>, %arg7: memref<4096xi32, #tpu.memory_space<vmem>>, %arg8: memref<4096xf32, #tpu.memory_space<vmem>>, %arg9: memref<4096xf32, #tpu.memory_space<vmem>>, %arg10: memref<256xi32, #tpu.memory_space<vmem>>, %arg11: memref<256xi32, #tpu.memory_space<vmem>>, %arg12: memref<256xf32, #tpu.memory_space<vmem>>, %arg13: memref<256xf32, #tpu.memory_space<vmem>>, %arg14: memref<1804288xf32, #tpu.memory_space<vmem_shared>>, %arg15: memref<!tpu.dma_semaphore, #tpu.memory_space<semaphore_mem>>, %arg16: memref<!tpu.dma_semaphore, #tpu.memory_space<semaphore_mem>>, %arg17: memref<!tpu.dma_semaphore, #tpu.memory_space<semaphore_mem>>, %arg18: memref<!tpu.dma_semaphore, #tpu.memory_space<semaphore_mem>>) attributes {dimension_semantics = [#tpu.dimension_semantics<core_parallel>, #tpu.dimension_semantics<subcore_parallel>], iteration_bounds = array<i64: 2, 16>, scalar_prefetch = 0 : i64, scratch_operands = 13 : i64, tpu.core_type = #tpu.core_type<sc_vector_subcore>, window_params = [{transform_indices = #map}, {transform_indices = #map}, {transform_indices = #map}, {transform_indices = #map}]} {
    %iota3A = tpu.iota {dimensions = array<i32: 0>} : vector<16xi32>
    %broadcast_in_dim3A = arith.constant 0.000000e+00 : f32
    %broadcast_in_dim3A_0 = vector.broadcast %broadcast_in_dim3A : f32 to vector<16xf32>
    %broadcast_in_dim3A_1 = arith.constant 0 : i32
    %broadcast_in_dim3A_2 = vector.broadcast %broadcast_in_dim3A_1 : i32 to vector<16xi32>
    %mul3A = arith.constant 128 : i32
    %mul3A_3 = arith.muli %arg1, %mul3A : i32
    %add3A = arith.constant 1802240 : i32
    %add3A_4 = arith.addi %add3A, %mul3A_3 : i32
    %add3A_5 = vector.broadcast %add3A_4 : i32 to vector<16xi32>
    %add3A_6 = arith.addi %add3A_5, %iota3A : vector<16xi32>
    %scan3A = arith.constant 0 : i32
    %scan3A_7 = arith.constant 0 : i32
    %scan3A_8 = arith.constant 14 : i32
    %scan3A_9 = arith.addi %scan3A_7, %scan3A_8 : i32
    %scan3A_10 = arith.constant 1 : i32
    %scan3A_11 = scf.for %scan3A_13 = %scan3A_7 to %scan3A_9 step %scan3A_10 iter_args(%scan3A_14 = %scan3A) -> (i32)  : i32 {
      %mul3A_15 = arith.constant 2 : i32
      %mul3A_16 = arith.muli %mul3A_15, %scan3A_13 : i32
      %add3A_17 = arith.addi %mul3A_16, %arg0 : i32
      %mul3A_18 = arith.constant 1802240 : i32
      %mul3A_19 = arith.muli %add3A_17, %mul3A_18 : i32
      %lt3A = arith.constant 25165824 : i32
      %lt3A_20 = arith.cmpi slt, %mul3A_19, %lt3A : i32
      %add3A_21 = arith.constant 1802240 : i32
      %add3A_22 = arith.addi %mul3A_19, %add3A_21 : i32
      %gt3A = arith.constant 25165824 : i32
      %gt3A_23 = arith.cmpi sgt, %add3A_22, %gt3A : i32
      %and3A = arith.andi %lt3A_20, %gt3A_23 : i1
      %jit3A = arith.constant 786432 : i32
      %jit3A_24 = arith.constant 393216 : i32
      %select_n3A = arith.select %and3A, %jit3A, %jit3A_24 : i32
      %lt3A_25 = arith.constant 25165824 : i32
      %lt3A_26 = arith.cmpi slt, %mul3A_19, %lt3A_25 : i32
      %or3A = arith.ori %and3A, %lt3A_26 : i1
      %jit3A_27 = arith.constant 0 : i32
      %jit3A_28 = arith.constant 6291456 : i32
      %select_n3A_29 = arith.select %or3A, %jit3A_27, %jit3A_28 : i32
      %jit3A_30 = arith.constant 4096 : i32
      %div3A = arith.divsi %select_n3A, %jit3A_30 : i32
      %sign3A = arith.constant 0 : i32
      %sign3A_31 = arith.cmpi sgt, %select_n3A, %sign3A : i32
      %sign3A_32 = arith.extui %sign3A_31 : i1 to i32
      %sign3A_33 = arith.constant 0 : i32
      %sign3A_34 = arith.cmpi slt, %select_n3A, %sign3A_33 : i32
      %sign3A_35 = arith.extui %sign3A_34 : i1 to i32
      %sign3A_36 = arith.subi %sign3A_32, %sign3A_35 : i32
      %sign3A_37 = arith.constant 0 : i32
      %sign3A_38 = arith.cmpi sgt, %jit3A_30, %sign3A_37 : i32
      %sign3A_39 = arith.extui %sign3A_38 : i1 to i32
      %sign3A_40 = arith.constant 0 : i32
      %sign3A_41 = arith.cmpi slt, %jit3A_30, %sign3A_40 : i32
      %sign3A_42 = arith.extui %sign3A_41 : i1 to i32
      %sign3A_43 = arith.subi %sign3A_39, %sign3A_42 : i32
      %ne3A = arith.cmpi ne, %sign3A_36, %sign3A_43 : i32
      %rem3A = arith.remsi %select_n3A, %jit3A_30 : i32
      %ne3A_44 = arith.constant 0 : i32
      %ne3A_45 = arith.cmpi ne, %rem3A, %ne3A_44 : i32
      %and3A_46 = arith.andi %ne3A, %ne3A_45 : i1
      %sub3A = arith.constant 1 : i32
      %sub3A_47 = arith.subi %div3A, %sub3A : i32
      %select_n3A_48 = arith.select %and3A_46, %sub3A_47, %div3A : i32
      %mul3A_49 = arith.muli %arg1, %select_n3A : i32
      %add3A_50 = arith.addi %select_n3A_29, %mul3A_49 : i32
      %ge3A = arith.constant 6291456 : i32
      %ge3A_51 = arith.cmpi sge, %add3A_50, %ge3A : i32
      %jit3A_52 = arith.constant 25165824 : i32
      %jit3A_53 = arith.constant 0 : i32
      %select_n3A_54 = arith.select %ge3A_51, %jit3A_52, %jit3A_53 : i32
      %sub3A_55 = arith.subi %mul3A_19, %select_n3A_54 : i32
      %mul3A_56 = arith.constant 112768 : i32
      %mul3A_57 = arith.muli %arg1, %mul3A_56 : i32
      %mul3A_58 = arith.constant 112768 : i32
      %mul3A_59 = arith.muli %arg1, %mul3A_58 : i32
      "tpu.region"() ({
        %run_scoped3A = tpu.sem_alloc : memref<!tpu.dma_semaphore, #tpu.memory_space<semaphore_mem>>
        %dma_start3A_135 = tpu.memref_slice %arg14[%mul3A_59] : memref<1804288xf32, #tpu.memory_space<vmem_shared>> -> memref<112768xf32, #tpu.memory_space<vmem_shared>>
        %dma_start3A_136 = tpu.memref_slice %arg4[%mul3A_57] : memref<1804288xf32, #tpu.memory_space<hbm>> -> memref<112768xf32, #tpu.memory_space<hbm>>
        tpu.enqueue_dma source(%dma_start3A_136 : memref<112768xf32, #tpu.memory_space<hbm>>) target(%dma_start3A_135 : memref<112768xf32, #tpu.memory_space<vmem_shared>>) target_semaphore(%run_scoped3A : memref<!tpu.dma_semaphore, #tpu.memory_space<semaphore_mem>>)
        %dma_wait3A = tpu.memref_slice %arg14[%mul3A_59] : memref<1804288xf32, #tpu.memory_space<vmem_shared>> -> memref<112768xf32, #tpu.memory_space<vmem_shared>>
        %dma_wait3A_137 = tpu.memref_slice %arg4[%mul3A_57] : memref<1804288xf32, #tpu.memory_space<hbm>> -> memref<112768xf32, #tpu.memory_space<hbm>>
        tpu.wait_dma2 semaphore(%run_scoped3A : memref<!tpu.dma_semaphore, #tpu.memory_space<semaphore_mem>>) src(%dma_wait3A_137 : memref<112768xf32, #tpu.memory_space<hbm>>) dst(%dma_wait3A : memref<112768xf32, #tpu.memory_space<vmem_shared>>)
        tpu.yield
      }) : () -> ()
      %barrier3A = arith.constant 0 : index
      tpu.barrier barrier_id(%barrier3A)
      %add3A_60 = arith.constant 0 : i32
      %add3A_61 = arith.addi %add3A_50, %add3A_60 : i32
      %dma_start3A = tpu.memref_slice %arg2[%add3A_61] : memref<12582912xi32, #tpu.memory_space<hbm>> -> memref<4096xi32, #tpu.memory_space<hbm>>
      %dma_start3A_62 = tpu.memref_slice %arg2[%add3A_61] : memref<12582912xi32, #tpu.memory_space<hbm>> -> memref<4096xi32, #tpu.memory_space<hbm>>
      tpu.enqueue_dma source(%dma_start3A_62 : memref<4096xi32, #tpu.memory_space<hbm>>) target(%arg6 : memref<4096xi32, #tpu.memory_space<vmem>>) target_semaphore(%arg15 : memref<!tpu.dma_semaphore, #tpu.memory_space<semaphore_mem>>)
      %dma_start3A_63 = tpu.memref_slice %arg3[%add3A_61] : memref<12582912xf32, #tpu.memory_space<hbm>> -> memref<4096xf32, #tpu.memory_space<hbm>>
      %dma_start3A_64 = tpu.memref_slice %arg3[%add3A_61] : memref<12582912xf32, #tpu.memory_space<hbm>> -> memref<4096xf32, #tpu.memory_space<hbm>>
      tpu.enqueue_dma source(%dma_start3A_64 : memref<4096xf32, #tpu.memory_space<hbm>>) target(%arg8 : memref<4096xf32, #tpu.memory_space<vmem>>) target_semaphore(%arg15 : memref<!tpu.dma_semaphore, #tpu.memory_space<semaphore_mem>>)
      %jit3A_65 = arith.constant 2 : i32
      %div3A_66 = arith.divsi %select_n3A_48, %jit3A_65 : i32
      %sign3A_67 = arith.constant 0 : i32
      %sign3A_68 = arith.cmpi sgt, %select_n3A_48, %sign3A_67 : i32
      %sign3A_69 = arith.extui %sign3A_68 : i1 to i32
      %sign3A_70 = arith.constant 0 : i32
      %sign3A_71 = arith.cmpi slt, %select_n3A_48, %sign3A_70 : i32
      %sign3A_72 = arith.extui %sign3A_71 : i1 to i32
      %sign3A_73 = arith.subi %sign3A_69, %sign3A_72 : i32
      %sign3A_74 = arith.constant 0 : i32
      %sign3A_75 = arith.cmpi sgt, %jit3A_65, %sign3A_74 : i32
      %sign3A_76 = arith.extui %sign3A_75 : i1 to i32
      %sign3A_77 = arith.constant 0 : i32
      %sign3A_78 = arith.cmpi slt, %jit3A_65, %sign3A_77 : i32
      %sign3A_79 = arith.extui %sign3A_78 : i1 to i32
      %sign3A_80 = arith.subi %sign3A_76, %sign3A_79 : i32
      %ne3A_81 = arith.cmpi ne, %sign3A_73, %sign3A_80 : i32
      %rem3A_82 = arith.remsi %select_n3A_48, %jit3A_65 : i32
      %ne3A_83 = arith.constant 0 : i32
      %ne3A_84 = arith.cmpi ne, %rem3A_82, %ne3A_83 : i32
      %and3A_85 = arith.andi %ne3A_81, %ne3A_84 : i1
      %sub3A_86 = arith.constant 1 : i32
      %sub3A_87 = arith.subi %div3A_66, %sub3A_86 : i32
      %select_n3A_88 = arith.select %and3A_85, %sub3A_87, %div3A_66 : i32
      %while3A = arith.constant 0 : i32
      %while3A_89 = arith.constant 0 : i32
      %while3A_90 = arith.constant 0 : i32
      %while3A_91 = arith.subi %select_n3A_88, %while3A : i32
      %while3A_92 = arith.addi %while3A, %while3A_91 : i32
      %while3A_93 = arith.constant 1 : i32
      %while3A_94 = arith.divsi %while3A_91, %while3A_93 : i32
      %while3A_95 = arith.muli %while3A_94, %while3A_93 : i32
      %while3A_96 = arith.addi %while3A, %while3A_95 : i32
      %while3A_97 = arith.constant 1 : i32
      %while3A_98:2 = scf.for %while3A_135 = %while3A to %while3A_96 step %while3A_97 iter_args(%while3A_136 = %while3A_89, %while3A_137 = %while3A_90) -> (i32, i32)  : i32 {
        %mul3A_138 = arith.constant 2 : i32
        %mul3A_139 = arith.muli %mul3A_138, %while3A_135 : i32
        %add3A_140 = arith.constant 0 : i32
        %add3A_141 = arith.addi %mul3A_139, %add3A_140 : i32
        %mul3A_142 = arith.constant 4096 : i32
        %mul3A_143 = arith.muli %add3A_141, %mul3A_142 : i32
        %add3A_144 = arith.addi %add3A_50, %mul3A_143 : i32
        %dma_wait3A = tpu.memref_slice %arg2[%add3A_144] : memref<12582912xi32, #tpu.memory_space<hbm>> -> memref<4096xi32, #tpu.memory_space<hbm>>
        %dma_wait3A_145 = tpu.memref_slice %arg2[%add3A_144] : memref<12582912xi32, #tpu.memory_space<hbm>> -> memref<4096xi32, #tpu.memory_space<hbm>>
        tpu.wait_dma2 semaphore(%arg15 : memref<!tpu.dma_semaphore, #tpu.memory_space<semaphore_mem>>) src(%dma_wait3A_145 : memref<4096xi32, #tpu.memory_space<hbm>>) dst(%arg6 : memref<4096xi32, #tpu.memory_space<vmem>>)
        %dma_wait3A_146 = tpu.memref_slice %arg3[%add3A_144] : memref<12582912xf32, #tpu.memory_space<hbm>> -> memref<4096xf32, #tpu.memory_space<hbm>>
        %dma_wait3A_147 = tpu.memref_slice %arg3[%add3A_144] : memref<12582912xf32, #tpu.memory_space<hbm>> -> memref<4096xf32, #tpu.memory_space<hbm>>
        tpu.wait_dma2 semaphore(%arg15 : memref<!tpu.dma_semaphore, #tpu.memory_space<semaphore_mem>>) src(%dma_wait3A_147 : memref<4096xf32, #tpu.memory_space<hbm>>) dst(%arg8 : memref<4096xf32, #tpu.memory_space<vmem>>)
        %add3A_148 = arith.constant 1 : i32
        %add3A_149 = arith.addi %add3A_141, %add3A_148 : i32
        %lt3A_150 = arith.cmpi slt, %add3A_149, %select_n3A_48 : i32
        %convert_element_type3A_151 = arith.extui %lt3A_150 : i1 to i32
        %cond3A_152 = arith.constant 0 : i32
        %cond3A_153 = arith.cmpi ne, %convert_element_type3A_151, %cond3A_152 : i32
        scf.if %cond3A_153 {
          %add3A_387 = arith.constant 1 : i32
          %add3A_388 = arith.addi %add3A_141, %add3A_387 : i32
          %mul3A_389 = arith.constant 4096 : i32
          %mul3A_390 = arith.muli %add3A_388, %mul3A_389 : i32
          %add3A_391 = arith.addi %add3A_50, %mul3A_390 : i32
          %dma_start3A_392 = tpu.memref_slice %arg2[%add3A_391] : memref<12582912xi32, #tpu.memory_space<hbm>> -> memref<4096xi32, #tpu.memory_space<hbm>>
          %dma_start3A_393 = tpu.memref_slice %arg2[%add3A_391] : memref<12582912xi32, #tpu.memory_space<hbm>> -> memref<4096xi32, #tpu.memory_space<hbm>>
          tpu.enqueue_dma source(%dma_start3A_393 : memref<4096xi32, #tpu.memory_space<hbm>>) target(%arg7 : memref<4096xi32, #tpu.memory_space<vmem>>) target_semaphore(%arg16 : memref<!tpu.dma_semaphore, #tpu.memory_space<semaphore_mem>>)
          %dma_start3A_394 = tpu.memref_slice %arg3[%add3A_391] : memref<12582912xf32, #tpu.memory_space<hbm>> -> memref<4096xf32, #tpu.memory_space<hbm>>
          %dma_start3A_395 = tpu.memref_slice %arg3[%add3A_391] : memref<12582912xf32, #tpu.memory_space<hbm>> -> memref<4096xf32, #tpu.memory_space<hbm>>
          tpu.enqueue_dma source(%dma_start3A_395 : memref<4096xf32, #tpu.memory_space<hbm>>) target(%arg9 : memref<4096xf32, #tpu.memory_space<vmem>>) target_semaphore(%arg16 : memref<!tpu.dma_semaphore, #tpu.memory_space<semaphore_mem>>)
        } else {
        }
        %while3A_154 = arith.constant 0 : i32
        %while3A_155 = arith.constant 0 : i32
        %while3A_156 = arith.subi %while3A_136, %while3A_154 : i32
        %while3A_157 = arith.addi %while3A_154, %while3A_156 : i32
        %while3A_158 = arith.constant 1 : i32
        %while3A_159 = arith.divsi %while3A_156, %while3A_158 : i32
        %while3A_160 = arith.muli %while3A_159, %while3A_158 : i32
        %while3A_161 = arith.addi %while3A_154, %while3A_160 : i32
        %while3A_162 = arith.constant 1 : i32
        %while3A_163 = scf.for %while3A_387 = %while3A_154 to %while3A_161 step %while3A_162 iter_args(%while3A_388 = %while3A_155) -> (i32)  : i32 {
          %mul3A_389 = arith.constant 128 : i32
          %mul3A_390 = arith.muli %mul3A_389, %while3A_387 : i32
          %mul3A_391 = arith.constant 128 : i32
          %mul3A_392 = arith.muli %mul3A_391, %while3A_387 : i32
          %dma_wait3A_393 = tpu.memref_slice %arg12[%mul3A_390] : memref<256xf32, #tpu.memory_space<vmem>> -> memref<128xf32, #tpu.memory_space<vmem>>
          %dma_wait3A_394 = tpu.memref_slice %arg10[%mul3A_392] : memref<256xi32, #tpu.memory_space<vmem>> -> memref<128xi32, #tpu.memory_space<vmem>>
          %dma_wait3A_395 = arith.constant 0 : i32
          %dma_wait3A_396 = tpu.memref_slice %arg14[%dma_wait3A_395] : memref<1804288xf32, #tpu.memory_space<vmem_shared>> -> memref<1804288xf32, #tpu.memory_space<vmem_shared>>
          tpu.wait_indirect_dma semaphore(%arg17 : memref<!tpu.dma_semaphore, #tpu.memory_space<semaphore_mem>>) src(%dma_wait3A_393 : memref<128xf32, #tpu.memory_space<vmem>>) dst(%dma_wait3A_396 : memref<1804288xf32, #tpu.memory_space<vmem_shared>>)
          %while3A_397 = arith.constant 0 : i32
          scf.yield %while3A_397 : i32
        }
        %while3A_164 = arith.constant 1 : i32
        %while3A_165 = scf.for %while3A_387 = %while3A_161 to %while3A_157 step %while3A_164 iter_args(%while3A_388 = %while3A_163) -> (i32)  : i32 {
          %mul3A_389 = arith.constant 128 : i32
          %mul3A_390 = arith.muli %mul3A_389, %while3A_387 : i32
          %mul3A_391 = arith.constant 128 : i32
          %mul3A_392 = arith.muli %mul3A_391, %while3A_387 : i32
          %dma_wait3A_393 = tpu.memref_slice %arg12[%mul3A_390] : memref<256xf32, #tpu.memory_space<vmem>> -> memref<128xf32, #tpu.memory_space<vmem>>
          %dma_wait3A_394 = tpu.memref_slice %arg10[%mul3A_392] : memref<256xi32, #tpu.memory_space<vmem>> -> memref<128xi32, #tpu.memory_space<vmem>>
          %dma_wait3A_395 = arith.constant 0 : i32
          %dma_wait3A_396 = tpu.memref_slice %arg14[%dma_wait3A_395] : memref<1804288xf32, #tpu.memory_space<vmem_shared>> -> memref<1804288xf32, #tpu.memory_space<vmem_shared>>
          tpu.wait_indirect_dma semaphore(%arg17 : memref<!tpu.dma_semaphore, #tpu.memory_space<semaphore_mem>>) src(%dma_wait3A_393 : memref<128xf32, #tpu.memory_space<vmem>>) dst(%dma_wait3A_396 : memref<1804288xf32, #tpu.memory_space<vmem_shared>>)
          %while3A_397 = arith.constant 0 : i32
          scf.yield %while3A_397 : i32
        }
        %scan3A_166 = arith.constant 0 : i32
        %scan3A_167 = arith.constant 0 : i32
        %scan3A_168 = arith.addi %scan3A_166, %scan3A_167 : i32
        %scan3A_169 = arith.constant 0 : i32
        %reduce_max3A = arith.constant true
        %reduce_max3A_170 = vector.broadcast %reduce_max3A : i1 to vector<16xi1>
        %reduce_max3A_171 = arith.constant -2147483648 : i32
        %reduce_max3A_172 = vector.broadcast %reduce_max3A_171 : i32 to vector<16xi32>
        %reduce_max3A_173 = arith.xori %broadcast_in_dim3A_2, %reduce_max3A_172 : vector<16xi32>
        %reduce_max3A_174 = tpu.scan <max>, %reduce_max3A_173 masked %reduce_max3A_170 : vector<16xi32>, vector<16xi1> -> vector<16xi32>
        %reduce_max3A_175 = arith.xori %reduce_max3A_174, %reduce_max3A_172 : vector<16xi32>
        %reduce_max3A_176 = vector.extract %reduce_max3A_175[15] : i32 from vector<16xi32>
        %reduce_min3A = arith.constant true
        %reduce_min3A_177 = vector.broadcast %reduce_min3A : i1 to vector<16xi1>
        %reduce_min3A_178 = arith.constant -2147483648 : i32
        %reduce_min3A_179 = vector.broadcast %reduce_min3A_178 : i32 to vector<16xi32>
        %reduce_min3A_180 = arith.xori %broadcast_in_dim3A_2, %reduce_min3A_179 : vector<16xi32>
        %reduce_min3A_181 = tpu.scan <min>, %reduce_min3A_180 masked %reduce_min3A_177 : vector<16xi32>, vector<16xi1> -> vector<16xi32>
        %reduce_min3A_182 = arith.xori %reduce_min3A_181, %reduce_min3A_179 : vector<16xi32>
        %reduce_min3A_183 = vector.extract %reduce_min3A_182[15] : i32 from vector<16xi32>
        %add3A_184 = arith.constant 7 : i32
        %add3A_185 = arith.addi %reduce_max3A_176, %add3A_184 : i32
        %jit3A_186 = arith.constant 8 : i32
        %div3A_187 = arith.divsi %add3A_185, %jit3A_186 : i32
        %sign3A_188 = arith.constant 0 : i32
        %sign3A_189 = arith.cmpi sgt, %add3A_185, %sign3A_188 : i32
        %sign3A_190 = arith.extui %sign3A_189 : i1 to i32
        %sign3A_191 = arith.constant 0 : i32
        %sign3A_192 = arith.cmpi slt, %add3A_185, %sign3A_191 : i32
        %sign3A_193 = arith.extui %sign3A_192 : i1 to i32
        %sign3A_194 = arith.subi %sign3A_190, %sign3A_193 : i32
        %sign3A_195 = arith.constant 0 : i32
        %sign3A_196 = arith.cmpi sgt, %jit3A_186, %sign3A_195 : i32
        %sign3A_197 = arith.extui %sign3A_196 : i1 to i32
        %sign3A_198 = arith.constant 0 : i32
        %sign3A_199 = arith.cmpi slt, %jit3A_186, %sign3A_198 : i32
        %sign3A_200 = arith.extui %sign3A_199 : i1 to i32
        %sign3A_201 = arith.subi %sign3A_197, %sign3A_200 : i32
        %ne3A_202 = arith.cmpi ne, %sign3A_194, %sign3A_201 : i32
        %rem3A_203 = arith.remsi %add3A_185, %jit3A_186 : i32
        %ne3A_204 = arith.constant 0 : i32
        %ne3A_205 = arith.cmpi ne, %rem3A_203, %ne3A_204 : i32
        %and3A_206 = arith.andi %ne3A_202, %ne3A_205 : i1
        %sub3A_207 = arith.constant 1 : i32
        %sub3A_208 = arith.subi %div3A_187, %sub3A_207 : i32
        %select_n3A_209 = arith.select %and3A_206, %sub3A_208, %div3A_187 : i32
        %mul3A_210 = arith.constant 8 : i32
        %mul3A_211 = arith.muli %select_n3A_209, %mul3A_210 : i32
        %while3A_212 = arith.constant 0 : i32
        %while3A_213 = arith.subi %reduce_min3A_183, %reduce_min3A_183 : i32
        %while3A_214 = arith.addi %reduce_min3A_183, %while3A_213 : i32
        %while3A_215 = arith.constant 1 : i32
        %while3A_216 = arith.divsi %while3A_213, %while3A_215 : i32
        %while3A_217 = arith.muli %while3A_216, %while3A_215 : i32
        %while3A_218 = arith.addi %reduce_min3A_183, %while3A_217 : i32
        %while3A_219 = arith.constant 1 : i32
        %while3A_220 = scf.for %while3A_387 = %reduce_min3A_183 to %while3A_218 step %while3A_219 iter_args(%while3A_388 = %while3A_212) -> (i32)  : i32 {
          %ge3A_389 = vector.broadcast %while3A_387 : i32 to vector<16xi32>
          %ge3A_390 = arith.cmpi sge, %ge3A_389, %broadcast_in_dim3A_2 : vector<16xi32>
          %shift_left3A = arith.constant 4 : i32
          %shift_left3A_391 = arith.shli %while3A_387, %shift_left3A : i32
          %add3A_392 = vector.broadcast %shift_left3A_391 : i32 to vector<16xi32>
          %add3A_393 = arith.addi %add3A_392, %iota3A : vector<16xi32>
          tpu.vector_store_idx %arg10[%add3A_393], %add3A_6 masked %ge3A_390 : memref<256xi32, #tpu.memory_space<vmem>>[vector<16xi32>], vector<16xi32>, vector<16xi1>
          tpu.vector_store_idx %arg12[%add3A_393], %broadcast_in_dim3A_0 masked %ge3A_390 : memref<256xf32, #tpu.memory_space<vmem>>[vector<16xi32>], vector<16xf32>, vector<16xi1>
          %while3A_394 = arith.constant 0 : i32
          scf.yield %while3A_394 : i32
        }
        %while3A_221 = arith.constant 1 : i32
        %while3A_222 = scf.for %while3A_387 = %while3A_218 to %while3A_214 step %while3A_221 iter_args(%while3A_388 = %while3A_220) -> (i32)  : i32 {
          %ge3A_389 = vector.broadcast %while3A_387 : i32 to vector<16xi32>
          %ge3A_390 = arith.cmpi sge, %ge3A_389, %broadcast_in_dim3A_2 : vector<16xi32>
          %shift_left3A = arith.constant 4 : i32
          %shift_left3A_391 = arith.shli %while3A_387, %shift_left3A : i32
          %add3A_392 = vector.broadcast %shift_left3A_391 : i32 to vector<16xi32>
          %add3A_393 = arith.addi %add3A_392, %iota3A : vector<16xi32>
          tpu.vector_store_idx %arg10[%add3A_393], %add3A_6 masked %ge3A_390 : memref<256xi32, #tpu.memory_space<vmem>>[vector<16xi32>], vector<16xi32>, vector<16xi1>
          tpu.vector_store_idx %arg12[%add3A_393], %broadcast_in_dim3A_0 masked %ge3A_390 : memref<256xf32, #tpu.memory_space<vmem>>[vector<16xi32>], vector<16xf32>, vector<16xi1>
          %while3A_394 = arith.constant 0 : i32
          scf.yield %while3A_394 : i32
        }
        %mul3A_223 = arith.constant 0 : i32
        %mul3A_224 = arith.muli %mul3A_211, %mul3A_223 : i32
        %jit3A_225 = arith.constant 8 : i32
        %div3A_226 = arith.divsi %mul3A_224, %jit3A_225 : i32
        %sign3A_227 = arith.constant 0 : i32
        %sign3A_228 = arith.cmpi sgt, %mul3A_224, %sign3A_227 : i32
        %sign3A_229 = arith.extui %sign3A_228 : i1 to i32
        %sign3A_230 = arith.constant 0 : i32
        %sign3A_231 = arith.cmpi slt, %mul3A_224, %sign3A_230 : i32
        %sign3A_232 = arith.extui %sign3A_231 : i1 to i32
        %sign3A_233 = arith.subi %sign3A_229, %sign3A_232 : i32
        %sign3A_234 = arith.constant 0 : i32
        %sign3A_235 = arith.cmpi sgt, %jit3A_225, %sign3A_234 : i32
        %sign3A_236 = arith.extui %sign3A_235 : i1 to i32
        %sign3A_237 = arith.constant 0 : i32
        %sign3A_238 = arith.cmpi slt, %jit3A_225, %sign3A_237 : i32
        %sign3A_239 = arith.extui %sign3A_238 : i1 to i32
        %sign3A_240 = arith.subi %sign3A_236, %sign3A_239 : i32
        %ne3A_241 = arith.cmpi ne, %sign3A_233, %sign3A_240 : i32
        %rem3A_242 = arith.remsi %mul3A_224, %jit3A_225 : i32
        %ne3A_243 = arith.constant 0 : i32
        %ne3A_244 = arith.cmpi ne, %rem3A_242, %ne3A_243 : i32
        %and3A_245 = arith.andi %ne3A_241, %ne3A_244 : i1
        %sub3A_246 = arith.constant 1 : i32
        %sub3A_247 = arith.subi %div3A_226, %sub3A_246 : i32
        %select_n3A_248 = arith.select %and3A_245, %sub3A_247, %div3A_226 : i32
        %while3A_249 = arith.constant 0 : i32
        %while3A_250 = arith.constant 0 : i32
        %while3A_251 = arith.subi %select_n3A_248, %while3A_249 : i32
        %while3A_252 = arith.addi %while3A_249, %while3A_251 : i32
        %while3A_253 = arith.constant 1 : i32
        %while3A_254 = arith.divsi %while3A_251, %while3A_253 : i32
        %while3A_255 = arith.muli %while3A_254, %while3A_253 : i32
        %while3A_256 = arith.addi %while3A_249, %while3A_255 : i32
        %while3A_257 = arith.constant 1 : i32
        %while3A_258 = scf.for %while3A_387 = %while3A_249 to %while3A_256 step %while3A_257 iter_args(%while3A_388 = %while3A_250) -> (i32)  : i32 {
          %mul3A_389 = arith.constant 128 : i32
          %mul3A_390 = arith.muli %mul3A_389, %while3A_387 : i32
          %mul3A_391 = arith.constant 128 : i32
          %mul3A_392 = arith.muli %mul3A_391, %while3A_387 : i32
          %dma_start3A_393 = tpu.memref_slice %arg12[%mul3A_390] : memref<256xf32, #tpu.memory_space<vmem>> -> memref<128xf32, #tpu.memory_space<vmem>>
          %dma_start3A_394 = tpu.memref_slice %arg10[%mul3A_392] : memref<256xi32, #tpu.memory_space<vmem>> -> memref<128xi32, #tpu.memory_space<vmem>>
          %dma_start3A_395 = arith.constant 0 : i32
          %dma_start3A_396 = tpu.memref_slice %arg14[%dma_start3A_395] : memref<1804288xf32, #tpu.memory_space<vmem_shared>> -> memref<1804288xf32, #tpu.memory_space<vmem_shared>>
          tpu.enqueue_indirect_dma source(%dma_start3A_393 : memref<128xf32, #tpu.memory_space<vmem>>) target(%dma_start3A_396 : memref<1804288xf32, #tpu.memory_space<vmem_shared>>) offsets(%dma_start3A_394 : memref<128xi32, #tpu.memory_space<vmem>>) semaphore(%arg17 : memref<!tpu.dma_semaphore, #tpu.memory_space<semaphore_mem>>) {add = true}
          %while3A_397 = arith.constant 0 : i32
          scf.yield %while3A_397 : i32
        }
        %while3A_259 = arith.constant 1 : i32
        %while3A_260 = scf.for %while3A_387 = %while3A_256 to %while3A_252 step %while3A_259 iter_args(%while3A_388 = %while3A_258) -> (i32)  : i32 {
          %mul3A_389 = arith.constant 128 : i32
          %mul3A_390 = arith.muli %mul3A_389, %while3A_387 : i32
          %mul3A_391 = arith.constant 128 : i32
          %mul3A_392 = arith.muli %mul3A_391, %while3A_387 : i32
          %dma_start3A_393 = tpu.memref_slice %arg12[%mul3A_390] : memref<256xf32, #tpu.memory_space<vmem>> -> memref<128xf32, #tpu.memory_space<vmem>>
          %dma_start3A_394 = tpu.memref_slice %arg10[%mul3A_392] : memref<256xi32, #tpu.memory_space<vmem>> -> memref<128xi32, #tpu.memory_space<vmem>>
          %dma_start3A_395 = arith.constant 0 : i32
          %dma_start3A_396 = tpu.memref_slice %arg14[%dma_start3A_395] : memref<1804288xf32, #tpu.memory_space<vmem_shared>> -> memref<1804288xf32, #tpu.memory_space<vmem_shared>>
          tpu.enqueue_indirect_dma source(%dma_start3A_393 : memref<128xf32, #tpu.memory_space<vmem>>) target(%dma_start3A_396 : memref<1804288xf32, #tpu.memory_space<vmem_shared>>) offsets(%dma_start3A_394 : memref<128xi32, #tpu.memory_space<vmem>>) semaphore(%arg17 : memref<!tpu.dma_semaphore, #tpu.memory_space<semaphore_mem>>) {add = true}
          %while3A_397 = arith.constant 0 : i32
          scf.yield %while3A_397 : i32
        }
        %mul3A_261 = arith.constant 2 : i32
        %mul3A_262 = arith.muli %mul3A_261, %while3A_135 : i32
        %add3A_263 = arith.constant 1 : i32
        %add3A_264 = arith.addi %mul3A_262, %add3A_263 : i32
        %mul3A_265 = arith.constant 4096 : i32
        %mul3A_266 = arith.muli %add3A_264, %mul3A_265 : i32
        %add3A_267 = arith.addi %add3A_50, %mul3A_266 : i32
        %dma_wait3A_268 = tpu.memref_slice %arg2[%add3A_267] : memref<12582912xi32, #tpu.memory_space<hbm>> -> memref<4096xi32, #tpu.memory_space<hbm>>
        %dma_wait3A_269 = tpu.memref_slice %arg2[%add3A_267] : memref<12582912xi32, #tpu.memory_space<hbm>> -> memref<4096xi32, #tpu.memory_space<hbm>>
        tpu.wait_dma2 semaphore(%arg16 : memref<!tpu.dma_semaphore, #tpu.memory_space<semaphore_mem>>) src(%dma_wait3A_269 : memref<4096xi32, #tpu.memory_space<hbm>>) dst(%arg7 : memref<4096xi32, #tpu.memory_space<vmem>>)
        %dma_wait3A_270 = tpu.memref_slice %arg3[%add3A_267] : memref<12582912xf32, #tpu.memory_space<hbm>> -> memref<4096xf32, #tpu.memory_space<hbm>>
        %dma_wait3A_271 = tpu.memref_slice %arg3[%add3A_267] : memref<12582912xf32, #tpu.memory_space<hbm>> -> memref<4096xf32, #tpu.memory_space<hbm>>
        tpu.wait_dma2 semaphore(%arg16 : memref<!tpu.dma_semaphore, #tpu.memory_space<semaphore_mem>>) src(%dma_wait3A_271 : memref<4096xf32, #tpu.memory_space<hbm>>) dst(%arg9 : memref<4096xf32, #tpu.memory_space<vmem>>)
        %add3A_272 = arith.constant 1 : i32
        %add3A_273 = arith.addi %add3A_264, %add3A_272 : i32
        %lt3A_274 = arith.cmpi slt, %add3A_273, %select_n3A_48 : i32
        %convert_element_type3A_275 = arith.extui %lt3A_274 : i1 to i32
        %cond3A_276 = arith.constant 0 : i32
        %cond3A_277 = arith.cmpi ne, %convert_element_type3A_275, %cond3A_276 : i32
        scf.if %cond3A_277 {
          %add3A_387 = arith.constant 1 : i32
          %add3A_388 = arith.addi %add3A_264, %add3A_387 : i32
          %mul3A_389 = arith.constant 4096 : i32
          %mul3A_390 = arith.muli %add3A_388, %mul3A_389 : i32
          %add3A_391 = arith.addi %add3A_50, %mul3A_390 : i32
          %dma_start3A_392 = tpu.memref_slice %arg2[%add3A_391] : memref<12582912xi32, #tpu.memory_space<hbm>> -> memref<4096xi32, #tpu.memory_space<hbm>>
          %dma_start3A_393 = tpu.memref_slice %arg2[%add3A_391] : memref<12582912xi32, #tpu.memory_space<hbm>> -> memref<4096xi32, #tpu.memory_space<hbm>>
          tpu.enqueue_dma source(%dma_start3A_393 : memref<4096xi32, #tpu.memory_space<hbm>>) target(%arg6 : memref<4096xi32, #tpu.memory_space<vmem>>) target_semaphore(%arg15 : memref<!tpu.dma_semaphore, #tpu.memory_space<semaphore_mem>>)
          %dma_start3A_394 = tpu.memref_slice %arg3[%add3A_391] : memref<12582912xf32, #tpu.memory_space<hbm>> -> memref<4096xf32, #tpu.memory_space<hbm>>
          %dma_start3A_395 = tpu.memref_slice %arg3[%add3A_391] : memref<12582912xf32, #tpu.memory_space<hbm>> -> memref<4096xf32, #tpu.memory_space<hbm>>
          tpu.enqueue_dma source(%dma_start3A_395 : memref<4096xf32, #tpu.memory_space<hbm>>) target(%arg8 : memref<4096xf32, #tpu.memory_space<vmem>>) target_semaphore(%arg15 : memref<!tpu.dma_semaphore, #tpu.memory_space<semaphore_mem>>)
        } else {
        }
        %while3A_278 = arith.constant 0 : i32
        %while3A_279 = arith.constant 0 : i32
        %while3A_280 = arith.subi %while3A_137, %while3A_278 : i32
        %while3A_281 = arith.addi %while3A_278, %while3A_280 : i32
        %while3A_282 = arith.constant 1 : i32
        %while3A_283 = arith.divsi %while3A_280, %while3A_282 : i32
        %while3A_284 = arith.muli %while3A_283, %while3A_282 : i32
        %while3A_285 = arith.addi %while3A_278, %while3A_284 : i32
        %while3A_286 = arith.constant 1 : i32
        %while3A_287 = scf.for %while3A_387 = %while3A_278 to %while3A_285 step %while3A_286 iter_args(%while3A_388 = %while3A_279) -> (i32)  : i32 {
          %mul3A_389 = arith.constant 128 : i32
          %mul3A_390 = arith.muli %mul3A_389, %while3A_387 : i32
          %mul3A_391 = arith.constant 128 : i32
          %mul3A_392 = arith.muli %mul3A_391, %while3A_387 : i32
          %dma_wait3A_393 = tpu.memref_slice %arg13[%mul3A_390] : memref<256xf32, #tpu.memory_space<vmem>> -> memref<128xf32, #tpu.memory_space<vmem>>
          %dma_wait3A_394 = tpu.memref_slice %arg11[%mul3A_392] : memref<256xi32, #tpu.memory_space<vmem>> -> memref<128xi32, #tpu.memory_space<vmem>>
          %dma_wait3A_395 = arith.constant 0 : i32
          %dma_wait3A_396 = tpu.memref_slice %arg14[%dma_wait3A_395] : memref<1804288xf32, #tpu.memory_space<vmem_shared>> -> memref<1804288xf32, #tpu.memory_space<vmem_shared>>
          tpu.wait_indirect_dma semaphore(%arg18 : memref<!tpu.dma_semaphore, #tpu.memory_space<semaphore_mem>>) src(%dma_wait3A_393 : memref<128xf32, #tpu.memory_space<vmem>>) dst(%dma_wait3A_396 : memref<1804288xf32, #tpu.memory_space<vmem_shared>>)
          %while3A_397 = arith.constant 0 : i32
          scf.yield %while3A_397 : i32
        }
        %while3A_288 = arith.constant 1 : i32
        %while3A_289 = scf.for %while3A_387 = %while3A_285 to %while3A_281 step %while3A_288 iter_args(%while3A_388 = %while3A_287) -> (i32)  : i32 {
          %mul3A_389 = arith.constant 128 : i32
          %mul3A_390 = arith.muli %mul3A_389, %while3A_387 : i32
          %mul3A_391 = arith.constant 128 : i32
          %mul3A_392 = arith.muli %mul3A_391, %while3A_387 : i32
          %dma_wait3A_393 = tpu.memref_slice %arg13[%mul3A_390] : memref<256xf32, #tpu.memory_space<vmem>> -> memref<128xf32, #tpu.memory_space<vmem>>
          %dma_wait3A_394 = tpu.memref_slice %arg11[%mul3A_392] : memref<256xi32, #tpu.memory_space<vmem>> -> memref<128xi32, #tpu.memory_space<vmem>>
          %dma_wait3A_395 = arith.constant 0 : i32
          %dma_wait3A_396 = tpu.memref_slice %arg14[%dma_wait3A_395] : memref<1804288xf32, #tpu.memory_space<vmem_shared>> -> memref<1804288xf32, #tpu.memory_space<vmem_shared>>
          tpu.wait_indirect_dma semaphore(%arg18 : memref<!tpu.dma_semaphore, #tpu.memory_space<semaphore_mem>>) src(%dma_wait3A_393 : memref<128xf32, #tpu.memory_space<vmem>>) dst(%dma_wait3A_396 : memref<1804288xf32, #tpu.memory_space<vmem_shared>>)
          %while3A_397 = arith.constant 0 : i32
          scf.yield %while3A_397 : i32
        }
        %scan3A_290 = arith.constant 0 : i32
        %scan3A_291 = arith.constant 0 : i32
        %scan3A_292 = arith.addi %scan3A_290, %scan3A_291 : i32
        %scan3A_293 = arith.constant 0 : i32
        %reduce_max3A_294 = arith.constant true
        %reduce_max3A_295 = vector.broadcast %reduce_max3A_294 : i1 to vector<16xi1>
        %reduce_max3A_296 = arith.constant -2147483648 : i32
        %reduce_max3A_297 = vector.broadcast %reduce_max3A_296 : i32 to vector<16xi32>
        %reduce_max3A_298 = arith.xori %broadcast_in_dim3A_2, %reduce_max3A_297 : vector<16xi32>
        %reduce_max3A_299 = tpu.scan <max>, %reduce_max3A_298 masked %reduce_max3A_295 : vector<16xi32>, vector<16xi1> -> vector<16xi32>
        %reduce_max3A_300 = arith.xori %reduce_max3A_299, %reduce_max3A_297 : vector<16xi32>
        %reduce_max3A_301 = vector.extract %reduce_max3A_300[15] : i32 from vector<16xi32>
        %reduce_min3A_302 = arith.constant true
        %reduce_min3A_303 = vector.broadcast %reduce_min3A_302 : i1 to vector<16xi1>
        %reduce_min3A_304 = arith.constant -2147483648 : i32
        %reduce_min3A_305 = vector.broadcast %reduce_min3A_304 : i32 to vector<16xi32>
        %reduce_min3A_306 = arith.xori %broadcast_in_dim3A_2, %reduce_min3A_305 : vector<16xi32>
        %reduce_min3A_307 = tpu.scan <min>, %reduce_min3A_306 masked %reduce_min3A_303 : vector<16xi32>, vector<16xi1> -> vector<16xi32>
        %reduce_min3A_308 = arith.xori %reduce_min3A_307, %reduce_min3A_305 : vector<16xi32>
        %reduce_min3A_309 = vector.extract %reduce_min3A_308[15] : i32 from vector<16xi32>
        %add3A_310 = arith.constant 7 : i32
        %add3A_311 = arith.addi %reduce_max3A_301, %add3A_310 : i32
        %jit3A_312 = arith.constant 8 : i32
        %div3A_313 = arith.divsi %add3A_311, %jit3A_312 : i32
        %sign3A_314 = arith.constant 0 : i32
        %sign3A_315 = arith.cmpi sgt, %add3A_311, %sign3A_314 : i32
        %sign3A_316 = arith.extui %sign3A_315 : i1 to i32
        %sign3A_317 = arith.constant 0 : i32
        %sign3A_318 = arith.cmpi slt, %add3A_311, %sign3A_317 : i32
        %sign3A_319 = arith.extui %sign3A_318 : i1 to i32
        %sign3A_320 = arith.subi %sign3A_316, %sign3A_319 : i32
        %sign3A_321 = arith.constant 0 : i32
        %sign3A_322 = arith.cmpi sgt, %jit3A_312, %sign3A_321 : i32
        %sign3A_323 = arith.extui %sign3A_322 : i1 to i32
        %sign3A_324 = arith.constant 0 : i32
        %sign3A_325 = arith.cmpi slt, %jit3A_312, %sign3A_324 : i32
        %sign3A_326 = arith.extui %sign3A_325 : i1 to i32
        %sign3A_327 = arith.subi %sign3A_323, %sign3A_326 : i32
        %ne3A_328 = arith.cmpi ne, %sign3A_320, %sign3A_327 : i32
        %rem3A_329 = arith.remsi %add3A_311, %jit3A_312 : i32
        %ne3A_330 = arith.constant 0 : i32
        %ne3A_331 = arith.cmpi ne, %rem3A_329, %ne3A_330 : i32
        %and3A_332 = arith.andi %ne3A_328, %ne3A_331 : i1
        %sub3A_333 = arith.constant 1 : i32
        %sub3A_334 = arith.subi %div3A_313, %sub3A_333 : i32
        %select_n3A_335 = arith.select %and3A_332, %sub3A_334, %div3A_313 : i32
        %mul3A_336 = arith.constant 8 : i32
        %mul3A_337 = arith.muli %select_n3A_335, %mul3A_336 : i32
        %while3A_338 = arith.constant 0 : i32
        %while3A_339 = arith.subi %reduce_min3A_309, %reduce_min3A_309 : i32
        %while3A_340 = arith.addi %reduce_min3A_309, %while3A_339 : i32
        %while3A_341 = arith.constant 1 : i32
        %while3A_342 = arith.divsi %while3A_339, %while3A_341 : i32
        %while3A_343 = arith.muli %while3A_342, %while3A_341 : i32
        %while3A_344 = arith.addi %reduce_min3A_309, %while3A_343 : i32
        %while3A_345 = arith.constant 1 : i32
        %while3A_346 = scf.for %while3A_387 = %reduce_min3A_309 to %while3A_344 step %while3A_345 iter_args(%while3A_388 = %while3A_338) -> (i32)  : i32 {
          %ge3A_389 = vector.broadcast %while3A_387 : i32 to vector<16xi32>
          %ge3A_390 = arith.cmpi sge, %ge3A_389, %broadcast_in_dim3A_2 : vector<16xi32>
          %shift_left3A = arith.constant 4 : i32
          %shift_left3A_391 = arith.shli %while3A_387, %shift_left3A : i32
          %add3A_392 = vector.broadcast %shift_left3A_391 : i32 to vector<16xi32>
          %add3A_393 = arith.addi %add3A_392, %iota3A : vector<16xi32>
          tpu.vector_store_idx %arg11[%add3A_393], %add3A_6 masked %ge3A_390 : memref<256xi32, #tpu.memory_space<vmem>>[vector<16xi32>], vector<16xi32>, vector<16xi1>
          tpu.vector_store_idx %arg13[%add3A_393], %broadcast_in_dim3A_0 masked %ge3A_390 : memref<256xf32, #tpu.memory_space<vmem>>[vector<16xi32>], vector<16xf32>, vector<16xi1>
          %while3A_394 = arith.constant 0 : i32
          scf.yield %while3A_394 : i32
        }
        %while3A_347 = arith.constant 1 : i32
        %while3A_348 = scf.for %while3A_387 = %while3A_344 to %while3A_340 step %while3A_347 iter_args(%while3A_388 = %while3A_346) -> (i32)  : i32 {
          %ge3A_389 = vector.broadcast %while3A_387 : i32 to vector<16xi32>
          %ge3A_390 = arith.cmpi sge, %ge3A_389, %broadcast_in_dim3A_2 : vector<16xi32>
          %shift_left3A = arith.constant 4 : i32
          %shift_left3A_391 = arith.shli %while3A_387, %shift_left3A : i32
          %add3A_392 = vector.broadcast %shift_left3A_391 : i32 to vector<16xi32>
          %add3A_393 = arith.addi %add3A_392, %iota3A : vector<16xi32>
          tpu.vector_store_idx %arg11[%add3A_393], %add3A_6 masked %ge3A_390 : memref<256xi32, #tpu.memory_space<vmem>>[vector<16xi32>], vector<16xi32>, vector<16xi1>
          tpu.vector_store_idx %arg13[%add3A_393], %broadcast_in_dim3A_0 masked %ge3A_390 : memref<256xf32, #tpu.memory_space<vmem>>[vector<16xi32>], vector<16xf32>, vector<16xi1>
          %while3A_394 = arith.constant 0 : i32
          scf.yield %while3A_394 : i32
        }
        %mul3A_349 = arith.constant 0 : i32
        %mul3A_350 = arith.muli %mul3A_337, %mul3A_349 : i32
        %jit3A_351 = arith.constant 8 : i32
        %div3A_352 = arith.divsi %mul3A_350, %jit3A_351 : i32
        %sign3A_353 = arith.constant 0 : i32
        %sign3A_354 = arith.cmpi sgt, %mul3A_350, %sign3A_353 : i32
        %sign3A_355 = arith.extui %sign3A_354 : i1 to i32
        %sign3A_356 = arith.constant 0 : i32
        %sign3A_357 = arith.cmpi slt, %mul3A_350, %sign3A_356 : i32
        %sign3A_358 = arith.extui %sign3A_357 : i1 to i32
        %sign3A_359 = arith.subi %sign3A_355, %sign3A_358 : i32
        %sign3A_360 = arith.constant 0 : i32
        %sign3A_361 = arith.cmpi sgt, %jit3A_351, %sign3A_360 : i32
        %sign3A_362 = arith.extui %sign3A_361 : i1 to i32
        %sign3A_363 = arith.constant 0 : i32
        %sign3A_364 = arith.cmpi slt, %jit3A_351, %sign3A_363 : i32
        %sign3A_365 = arith.extui %sign3A_364 : i1 to i32
        %sign3A_366 = arith.subi %sign3A_362, %sign3A_365 : i32
        %ne3A_367 = arith.cmpi ne, %sign3A_359, %sign3A_366 : i32
        %rem3A_368 = arith.remsi %mul3A_350, %jit3A_351 : i32
        %ne3A_369 = arith.constant 0 : i32
        %ne3A_370 = arith.cmpi ne, %rem3A_368, %ne3A_369 : i32
        %and3A_371 = arith.andi %ne3A_367, %ne3A_370 : i1
        %sub3A_372 = arith.constant 1 : i32
        %sub3A_373 = arith.subi %div3A_352, %sub3A_372 : i32
        %select_n3A_374 = arith.select %and3A_371, %sub3A_373, %div3A_352 : i32
        %while3A_375 = arith.constant 0 : i32
        %while3A_376 = arith.constant 0 : i32
        %while3A_377 = arith.subi %select_n3A_374, %while3A_375 : i32
        %while3A_378 = arith.addi %while3A_375, %while3A_377 : i32
        %while3A_379 = arith.constant 1 : i32
        %while3A_380 = arith.divsi %while3A_377, %while3A_379 : i32
        %while3A_381 = arith.muli %while3A_380, %while3A_379 : i32
        %while3A_382 = arith.addi %while3A_375, %while3A_381 : i32
        %while3A_383 = arith.constant 1 : i32
        %while3A_384 = scf.for %while3A_387 = %while3A_375 to %while3A_382 step %while3A_383 iter_args(%while3A_388 = %while3A_376) -> (i32)  : i32 {
          %mul3A_389 = arith.constant 128 : i32
          %mul3A_390 = arith.muli %mul3A_389, %while3A_387 : i32
          %mul3A_391 = arith.constant 128 : i32
          %mul3A_392 = arith.muli %mul3A_391, %while3A_387 : i32
          %dma_start3A_393 = tpu.memref_slice %arg13[%mul3A_390] : memref<256xf32, #tpu.memory_space<vmem>> -> memref<128xf32, #tpu.memory_space<vmem>>
          %dma_start3A_394 = tpu.memref_slice %arg11[%mul3A_392] : memref<256xi32, #tpu.memory_space<vmem>> -> memref<128xi32, #tpu.memory_space<vmem>>
          %dma_start3A_395 = arith.constant 0 : i32
          %dma_start3A_396 = tpu.memref_slice %arg14[%dma_start3A_395] : memref<1804288xf32, #tpu.memory_space<vmem_shared>> -> memref<1804288xf32, #tpu.memory_space<vmem_shared>>
          tpu.enqueue_indirect_dma source(%dma_start3A_393 : memref<128xf32, #tpu.memory_space<vmem>>) target(%dma_start3A_396 : memref<1804288xf32, #tpu.memory_space<vmem_shared>>) offsets(%dma_start3A_394 : memref<128xi32, #tpu.memory_space<vmem>>) semaphore(%arg18 : memref<!tpu.dma_semaphore, #tpu.memory_space<semaphore_mem>>) {add = true}
          %while3A_397 = arith.constant 0 : i32
          scf.yield %while3A_397 : i32
        }
        %while3A_385 = arith.constant 1 : i32
        %while3A_386 = scf.for %while3A_387 = %while3A_382 to %while3A_378 step %while3A_385 iter_args(%while3A_388 = %while3A_384) -> (i32)  : i32 {
          %mul3A_389 = arith.constant 128 : i32
          %mul3A_390 = arith.muli %mul3A_389, %while3A_387 : i32
          %mul3A_391 = arith.constant 128 : i32
          %mul3A_392 = arith.muli %mul3A_391, %while3A_387 : i32
          %dma_start3A_393 = tpu.memref_slice %arg13[%mul3A_390] : memref<256xf32, #tpu.memory_space<vmem>> -> memref<128xf32, #tpu.memory_space<vmem>>
          %dma_start3A_394 = tpu.memref_slice %arg11[%mul3A_392] : memref<256xi32, #tpu.memory_space<vmem>> -> memref<128xi32, #tpu.memory_space<vmem>>
          %dma_start3A_395 = arith.constant 0 : i32
          %dma_start3A_396 = tpu.memref_slice %arg14[%dma_start3A_395] : memref<1804288xf32, #tpu.memory_space<vmem_shared>> -> memref<1804288xf32, #tpu.memory_space<vmem_shared>>
          tpu.enqueue_indirect_dma source(%dma_start3A_393 : memref<128xf32, #tpu.memory_space<vmem>>) target(%dma_start3A_396 : memref<1804288xf32, #tpu.memory_space<vmem_shared>>) offsets(%dma_start3A_394 : memref<128xi32, #tpu.memory_space<vmem>>) semaphore(%arg18 : memref<!tpu.dma_semaphore, #tpu.memory_space<semaphore_mem>>) {add = true}
          %while3A_397 = arith.constant 0 : i32
          scf.yield %while3A_397 : i32
        }
        scf.yield %select_n3A_248, %select_n3A_374 : i32, i32
      }
      %while3A_99 = arith.constant 1 : i32
      %while3A_100:2 = scf.for %while3A_135 = %while3A_96 to %while3A_92 step %while3A_99 iter_args(%while3A_136 = %while3A_98#0, %while3A_137 = %while3A_98#1) -> (i32, i32)  : i32 {
        %mul3A_138 = arith.constant 2 : i32
        %mul3A_139 = arith.muli %mul3A_138, %while3A_135 : i32
        %add3A_140 = arith.constant 0 : i32
        %add3A_141 = arith.addi %mul3A_139, %add3A_140 : i32
        %mul3A_142 = arith.constant 4096 : i32
        %mul3A_143 = arith.muli %add3A_141, %mul3A_142 : i32
        %add3A_144 = arith.addi %add3A_50, %mul3A_143 : i32
        %dma_wait3A = tpu.memref_slice %arg2[%add3A_144] : memref<12582912xi32, #tpu.memory_space<hbm>> -> memref<4096xi32, #tpu.memory_space<hbm>>
        %dma_wait3A_145 = tpu.memref_slice %arg2[%add3A_144] : memref<12582912xi32, #tpu.memory_space<hbm>> -> memref<4096xi32, #tpu.memory_space<hbm>>
        tpu.wait_dma2 semaphore(%arg15 : memref<!tpu.dma_semaphore, #tpu.memory_space<semaphore_mem>>) src(%dma_wait3A_145 : memref<4096xi32, #tpu.memory_space<hbm>>) dst(%arg6 : memref<4096xi32, #tpu.memory_space<vmem>>)
        %dma_wait3A_146 = tpu.memref_slice %arg3[%add3A_144] : memref<12582912xf32, #tpu.memory_space<hbm>> -> memref<4096xf32, #tpu.memory_space<hbm>>
        %dma_wait3A_147 = tpu.memref_slice %arg3[%add3A_144] : memref<12582912xf32, #tpu.memory_space<hbm>> -> memref<4096xf32, #tpu.memory_space<hbm>>
        tpu.wait_dma2 semaphore(%arg15 : memref<!tpu.dma_semaphore, #tpu.memory_space<semaphore_mem>>) src(%dma_wait3A_147 : memref<4096xf32, #tpu.memory_space<hbm>>) dst(%arg8 : memref<4096xf32, #tpu.memory_space<vmem>>)
        %add3A_148 = arith.constant 1 : i32
        %add3A_149 = arith.addi %add3A_141, %add3A_148 : i32
        %lt3A_150 = arith.cmpi slt, %add3A_149, %select_n3A_48 : i32
        %convert_element_type3A_151 = arith.extui %lt3A_150 : i1 to i32
        %cond3A_152 = arith.constant 0 : i32
        %cond3A_153 = arith.cmpi ne, %convert_element_type3A_151, %cond3A_152 : i32
        scf.if %cond3A_153 {
          %add3A_387 = arith.constant 1 : i32
          %add3A_388 = arith.addi %add3A_141, %add3A_387 : i32
          %mul3A_389 = arith.constant 4096 : i32
          %mul3A_390 = arith.muli %add3A_388, %mul3A_389 : i32
          %add3A_391 = arith.addi %add3A_50, %mul3A_390 : i32
          %dma_start3A_392 = tpu.memref_slice %arg2[%add3A_391] : memref<12582912xi32, #tpu.memory_space<hbm>> -> memref<4096xi32, #tpu.memory_space<hbm>>
          %dma_start3A_393 = tpu.memref_slice %arg2[%add3A_391] : memref<12582912xi32, #tpu.memory_space<hbm>> -> memref<4096xi32, #tpu.memory_space<hbm>>
          tpu.enqueue_dma source(%dma_start3A_393 : memref<4096xi32, #tpu.memory_space<hbm>>) target(%arg7 : memref<4096xi32, #tpu.memory_space<vmem>>) target_semaphore(%arg16 : memref<!tpu.dma_semaphore, #tpu.memory_space<semaphore_mem>>)
          %dma_start3A_394 = tpu.memref_slice %arg3[%add3A_391] : memref<12582912xf32, #tpu.memory_space<hbm>> -> memref<4096xf32, #tpu.memory_space<hbm>>
          %dma_start3A_395 = tpu.memref_slice %arg3[%add3A_391] : memref<12582912xf32, #tpu.memory_space<hbm>> -> memref<4096xf32, #tpu.memory_space<hbm>>
          tpu.enqueue_dma source(%dma_start3A_395 : memref<4096xf32, #tpu.memory_space<hbm>>) target(%arg9 : memref<4096xf32, #tpu.memory_space<vmem>>) target_semaphore(%arg16 : memref<!tpu.dma_semaphore, #tpu.memory_space<semaphore_mem>>)
        } else {
        }
        %while3A_154 = arith.constant 0 : i32
        %while3A_155 = arith.constant 0 : i32
        %while3A_156 = arith.subi %while3A_136, %while3A_154 : i32
        %while3A_157 = arith.addi %while3A_154, %while3A_156 : i32
        %while3A_158 = arith.constant 1 : i32
        %while3A_159 = arith.divsi %while3A_156, %while3A_158 : i32
        %while3A_160 = arith.muli %while3A_159, %while3A_158 : i32
        %while3A_161 = arith.addi %while3A_154, %while3A_160 : i32
        %while3A_162 = arith.constant 1 : i32
        %while3A_163 = scf.for %while3A_387 = %while3A_154 to %while3A_161 step %while3A_162 iter_args(%while3A_388 = %while3A_155) -> (i32)  : i32 {
          %mul3A_389 = arith.constant 128 : i32
          %mul3A_390 = arith.muli %mul3A_389, %while3A_387 : i32
          %mul3A_391 = arith.constant 128 : i32
          %mul3A_392 = arith.muli %mul3A_391, %while3A_387 : i32
          %dma_wait3A_393 = tpu.memref_slice %arg12[%mul3A_390] : memref<256xf32, #tpu.memory_space<vmem>> -> memref<128xf32, #tpu.memory_space<vmem>>
          %dma_wait3A_394 = tpu.memref_slice %arg10[%mul3A_392] : memref<256xi32, #tpu.memory_space<vmem>> -> memref<128xi32, #tpu.memory_space<vmem>>
          %dma_wait3A_395 = arith.constant 0 : i32
          %dma_wait3A_396 = tpu.memref_slice %arg14[%dma_wait3A_395] : memref<1804288xf32, #tpu.memory_space<vmem_shared>> -> memref<1804288xf32, #tpu.memory_space<vmem_shared>>
          tpu.wait_indirect_dma semaphore(%arg17 : memref<!tpu.dma_semaphore, #tpu.memory_space<semaphore_mem>>) src(%dma_wait3A_393 : memref<128xf32, #tpu.memory_space<vmem>>) dst(%dma_wait3A_396 : memref<1804288xf32, #tpu.memory_space<vmem_shared>>)
          %while3A_397 = arith.constant 0 : i32
          scf.yield %while3A_397 : i32
        }
        %while3A_164 = arith.constant 1 : i32
        %while3A_165 = scf.for %while3A_387 = %while3A_161 to %while3A_157 step %while3A_164 iter_args(%while3A_388 = %while3A_163) -> (i32)  : i32 {
          %mul3A_389 = arith.constant 128 : i32
          %mul3A_390 = arith.muli %mul3A_389, %while3A_387 : i32
          %mul3A_391 = arith.constant 128 : i32
          %mul3A_392 = arith.muli %mul3A_391, %while3A_387 : i32
          %dma_wait3A_393 = tpu.memref_slice %arg12[%mul3A_390] : memref<256xf32, #tpu.memory_space<vmem>> -> memref<128xf32, #tpu.memory_space<vmem>>
          %dma_wait3A_394 = tpu.memref_slice %arg10[%mul3A_392] : memref<256xi32, #tpu.memory_space<vmem>> -> memref<128xi32, #tpu.memory_space<vmem>>
          %dma_wait3A_395 = arith.constant 0 : i32
          %dma_wait3A_396 = tpu.memref_slice %arg14[%dma_wait3A_395] : memref<1804288xf32, #tpu.memory_space<vmem_shared>> -> memref<1804288xf32, #tpu.memory_space<vmem_shared>>
          tpu.wait_indirect_dma semaphore(%arg17 : memref<!tpu.dma_semaphore, #tpu.memory_space<semaphore_mem>>) src(%dma_wait3A_393 : memref<128xf32, #tpu.memory_space<vmem>>) dst(%dma_wait3A_396 : memref<1804288xf32, #tpu.memory_space<vmem_shared>>)
          %while3A_397 = arith.constant 0 : i32
          scf.yield %while3A_397 : i32
        }
        %scan3A_166 = arith.constant 0 : i32
        %scan3A_167 = arith.constant 0 : i32
        %scan3A_168 = arith.addi %scan3A_166, %scan3A_167 : i32
        %scan3A_169 = arith.constant 0 : i32
        %reduce_max3A = arith.constant true
        %reduce_max3A_170 = vector.broadcast %reduce_max3A : i1 to vector<16xi1>
        %reduce_max3A_171 = arith.constant -2147483648 : i32
        %reduce_max3A_172 = vector.broadcast %reduce_max3A_171 : i32 to vector<16xi32>
        %reduce_max3A_173 = arith.xori %broadcast_in_dim3A_2, %reduce_max3A_172 : vector<16xi32>
        %reduce_max3A_174 = tpu.scan <max>, %reduce_max3A_173 masked %reduce_max3A_170 : vector<16xi32>, vector<16xi1> -> vector<16xi32>
        %reduce_max3A_175 = arith.xori %reduce_max3A_174, %reduce_max3A_172 : vector<16xi32>
        %reduce_max3A_176 = vector.extract %reduce_max3A_175[15] : i32 from vector<16xi32>
        %reduce_min3A = arith.constant true
        %reduce_min3A_177 = vector.broadcast %reduce_min3A : i1 to vector<16xi1>
        %reduce_min3A_178 = arith.constant -2147483648 : i32
        %reduce_min3A_179 = vector.broadcast %reduce_min3A_178 : i32 to vector<16xi32>
        %reduce_min3A_180 = arith.xori %broadcast_in_dim3A_2, %reduce_min3A_179 : vector<16xi32>
        %reduce_min3A_181 = tpu.scan <min>, %reduce_min3A_180 masked %reduce_min3A_177 : vector<16xi32>, vector<16xi1> -> vector<16xi32>
        %reduce_min3A_182 = arith.xori %reduce_min3A_181, %reduce_min3A_179 : vector<16xi32>
        %reduce_min3A_183 = vector.extract %reduce_min3A_182[15] : i32 from vector<16xi32>
        %add3A_184 = arith.constant 7 : i32
        %add3A_185 = arith.addi %reduce_max3A_176, %add3A_184 : i32
        %jit3A_186 = arith.constant 8 : i32
        %div3A_187 = arith.divsi %add3A_185, %jit3A_186 : i32
        %sign3A_188 = arith.constant 0 : i32
        %sign3A_189 = arith.cmpi sgt, %add3A_185, %sign3A_188 : i32
        %sign3A_190 = arith.extui %sign3A_189 : i1 to i32
        %sign3A_191 = arith.constant 0 : i32
        %sign3A_192 = arith.cmpi slt, %add3A_185, %sign3A_191 : i32
        %sign3A_193 = arith.extui %sign3A_192 : i1 to i32
        %sign3A_194 = arith.subi %sign3A_190, %sign3A_193 : i32
        %sign3A_195 = arith.constant 0 : i32
        %sign3A_196 = arith.cmpi sgt, %jit3A_186, %sign3A_195 : i32
        %sign3A_197 = arith.extui %sign3A_196 : i1 to i32
        %sign3A_198 = arith.constant 0 : i32
        %sign3A_199 = arith.cmpi slt, %jit3A_186, %sign3A_198 : i32
        %sign3A_200 = arith.extui %sign3A_199 : i1 to i32
        %sign3A_201 = arith.subi %sign3A_197, %sign3A_200 : i32
        %ne3A_202 = arith.cmpi ne, %sign3A_194, %sign3A_201 : i32
        %rem3A_203 = arith.remsi %add3A_185, %jit3A_186 : i32
        %ne3A_204 = arith.constant 0 : i32
        %ne3A_205 = arith.cmpi ne, %rem3A_203, %ne3A_204 : i32
        %and3A_206 = arith.andi %ne3A_202, %ne3A_205 : i1
        %sub3A_207 = arith.constant 1 : i32
        %sub3A_208 = arith.subi %div3A_187, %sub3A_207 : i32
        %select_n3A_209 = arith.select %and3A_206, %sub3A_208, %div3A_187 : i32
        %mul3A_210 = arith.constant 8 : i32
        %mul3A_211 = arith.muli %select_n3A_209, %mul3A_210 : i32
        %while3A_212 = arith.constant 0 : i32
        %while3A_213 = arith.subi %reduce_min3A_183, %reduce_min3A_183 : i32
        %while3A_214 = arith.addi %reduce_min3A_183, %while3A_213 : i32
        %while3A_215 = arith.constant 1 : i32
        %while3A_216 = arith.divsi %while3A_213, %while3A_215 : i32
        %while3A_217 = arith.muli %while3A_216, %while3A_215 : i32
        %while3A_218 = arith.addi %reduce_min3A_183, %while3A_217 : i32
        %while3A_219 = arith.constant 1 : i32
        %while3A_220 = scf.for %while3A_387 = %reduce_min3A_183 to %while3A_218 step %while3A_219 iter_args(%while3A_388 = %while3A_212) -> (i32)  : i32 {
          %ge3A_389 = vector.broadcast %while3A_387 : i32 to vector<16xi32>
          %ge3A_390 = arith.cmpi sge, %ge3A_389, %broadcast_in_dim3A_2 : vector<16xi32>
          %shift_left3A = arith.constant 4 : i32
          %shift_left3A_391 = arith.shli %while3A_387, %shift_left3A : i32
          %add3A_392 = vector.broadcast %shift_left3A_391 : i32 to vector<16xi32>
          %add3A_393 = arith.addi %add3A_392, %iota3A : vector<16xi32>
          tpu.vector_store_idx %arg10[%add3A_393], %add3A_6 masked %ge3A_390 : memref<256xi32, #tpu.memory_space<vmem>>[vector<16xi32>], vector<16xi32>, vector<16xi1>
          tpu.vector_store_idx %arg12[%add3A_393], %broadcast_in_dim3A_0 masked %ge3A_390 : memref<256xf32, #tpu.memory_space<vmem>>[vector<16xi32>], vector<16xf32>, vector<16xi1>
          %while3A_394 = arith.constant 0 : i32
          scf.yield %while3A_394 : i32
        }
        %while3A_221 = arith.constant 1 : i32
        %while3A_222 = scf.for %while3A_387 = %while3A_218 to %while3A_214 step %while3A_221 iter_args(%while3A_388 = %while3A_220) -> (i32)  : i32 {
          %ge3A_389 = vector.broadcast %while3A_387 : i32 to vector<16xi32>
          %ge3A_390 = arith.cmpi sge, %ge3A_389, %broadcast_in_dim3A_2 : vector<16xi32>
          %shift_left3A = arith.constant 4 : i32
          %shift_left3A_391 = arith.shli %while3A_387, %shift_left3A : i32
          %add3A_392 = vector.broadcast %shift_left3A_391 : i32 to vector<16xi32>
          %add3A_393 = arith.addi %add3A_392, %iota3A : vector<16xi32>
          tpu.vector_store_idx %arg10[%add3A_393], %add3A_6 masked %ge3A_390 : memref<256xi32, #tpu.memory_space<vmem>>[vector<16xi32>], vector<16xi32>, vector<16xi1>
          tpu.vector_store_idx %arg12[%add3A_393], %broadcast_in_dim3A_0 masked %ge3A_390 : memref<256xf32, #tpu.memory_space<vmem>>[vector<16xi32>], vector<16xf32>, vector<16xi1>
          %while3A_394 = arith.constant 0 : i32
          scf.yield %while3A_394 : i32
        }
        %mul3A_223 = arith.constant 0 : i32
        %mul3A_224 = arith.muli %mul3A_211, %mul3A_223 : i32
        %jit3A_225 = arith.constant 8 : i32
        %div3A_226 = arith.divsi %mul3A_224, %jit3A_225 : i32
        %sign3A_227 = arith.constant 0 : i32
        %sign3A_228 = arith.cmpi sgt, %mul3A_224, %sign3A_227 : i32
        %sign3A_229 = arith.extui %sign3A_228 : i1 to i32
        %sign3A_230 = arith.constant 0 : i32
        %sign3A_231 = arith.cmpi slt, %mul3A_224, %sign3A_230 : i32
        %sign3A_232 = arith.extui %sign3A_231 : i1 to i32
        %sign3A_233 = arith.subi %sign3A_229, %sign3A_232 : i32
        %sign3A_234 = arith.constant 0 : i32
        %sign3A_235 = arith.cmpi sgt, %jit3A_225, %sign3A_234 : i32
        %sign3A_236 = arith.extui %sign3A_235 : i1 to i32
        %sign3A_237 = arith.constant 0 : i32
        %sign3A_238 = arith.cmpi slt, %jit3A_225, %sign3A_237 : i32
        %sign3A_239 = arith.extui %sign3A_238 : i1 to i32
        %sign3A_240 = arith.subi %sign3A_236, %sign3A_239 : i32
        %ne3A_241 = arith.cmpi ne, %sign3A_233, %sign3A_240 : i32
        %rem3A_242 = arith.remsi %mul3A_224, %jit3A_225 : i32
        %ne3A_243 = arith.constant 0 : i32
        %ne3A_244 = arith.cmpi ne, %rem3A_242, %ne3A_243 : i32
        %and3A_245 = arith.andi %ne3A_241, %ne3A_244 : i1
        %sub3A_246 = arith.constant 1 : i32
        %sub3A_247 = arith.subi %div3A_226, %sub3A_246 : i32
        %select_n3A_248 = arith.select %and3A_245, %sub3A_247, %div3A_226 : i32
        %while3A_249 = arith.constant 0 : i32
        %while3A_250 = arith.constant 0 : i32
        %while3A_251 = arith.subi %select_n3A_248, %while3A_249 : i32
        %while3A_252 = arith.addi %while3A_249, %while3A_251 : i32
        %while3A_253 = arith.constant 1 : i32
        %while3A_254 = arith.divsi %while3A_251, %while3A_253 : i32
        %while3A_255 = arith.muli %while3A_254, %while3A_253 : i32
        %while3A_256 = arith.addi %while3A_249, %while3A_255 : i32
        %while3A_257 = arith.constant 1 : i32
        %while3A_258 = scf.for %while3A_387 = %while3A_249 to %while3A_256 step %while3A_257 iter_args(%while3A_388 = %while3A_250) -> (i32)  : i32 {
          %mul3A_389 = arith.constant 128 : i32
          %mul3A_390 = arith.muli %mul3A_389, %while3A_387 : i32
          %mul3A_391 = arith.constant 128 : i32
          %mul3A_392 = arith.muli %mul3A_391, %while3A_387 : i32
          %dma_start3A_393 = tpu.memref_slice %arg12[%mul3A_390] : memref<256xf32, #tpu.memory_space<vmem>> -> memref<128xf32, #tpu.memory_space<vmem>>
          %dma_start3A_394 = tpu.memref_slice %arg10[%mul3A_392] : memref<256xi32, #tpu.memory_space<vmem>> -> memref<128xi32, #tpu.memory_space<vmem>>
          %dma_start3A_395 = arith.constant 0 : i32
          %dma_start3A_396 = tpu.memref_slice %arg14[%dma_start3A_395] : memref<1804288xf32, #tpu.memory_space<vmem_shared>> -> memref<1804288xf32, #tpu.memory_space<vmem_shared>>
          tpu.enqueue_indirect_dma source(%dma_start3A_393 : memref<128xf32, #tpu.memory_space<vmem>>) target(%dma_start3A_396 : memref<1804288xf32, #tpu.memory_space<vmem_shared>>) offsets(%dma_start3A_394 : memref<128xi32, #tpu.memory_space<vmem>>) semaphore(%arg17 : memref<!tpu.dma_semaphore, #tpu.memory_space<semaphore_mem>>) {add = true}
          %while3A_397 = arith.constant 0 : i32
          scf.yield %while3A_397 : i32
        }
        %while3A_259 = arith.constant 1 : i32
        %while3A_260 = scf.for %while3A_387 = %while3A_256 to %while3A_252 step %while3A_259 iter_args(%while3A_388 = %while3A_258) -> (i32)  : i32 {
          %mul3A_389 = arith.constant 128 : i32
          %mul3A_390 = arith.muli %mul3A_389, %while3A_387 : i32
          %mul3A_391 = arith.constant 128 : i32
          %mul3A_392 = arith.muli %mul3A_391, %while3A_387 : i32
          %dma_start3A_393 = tpu.memref_slice %arg12[%mul3A_390] : memref<256xf32, #tpu.memory_space<vmem>> -> memref<128xf32, #tpu.memory_space<vmem>>
          %dma_start3A_394 = tpu.memref_slice %arg10[%mul3A_392] : memref<256xi32, #tpu.memory_space<vmem>> -> memref<128xi32, #tpu.memory_space<vmem>>
          %dma_start3A_395 = arith.constant 0 : i32
          %dma_start3A_396 = tpu.memref_slice %arg14[%dma_start3A_395] : memref<1804288xf32, #tpu.memory_space<vmem_shared>> -> memref<1804288xf32, #tpu.memory_space<vmem_shared>>
          tpu.enqueue_indirect_dma source(%dma_start3A_393 : memref<128xf32, #tpu.memory_space<vmem>>) target(%dma_start3A_396 : memref<1804288xf32, #tpu.memory_space<vmem_shared>>) offsets(%dma_start3A_394 : memref<128xi32, #tpu.memory_space<vmem>>) semaphore(%arg17 : memref<!tpu.dma_semaphore, #tpu.memory_space<semaphore_mem>>) {add = true}
          %while3A_397 = arith.constant 0 : i32
          scf.yield %while3A_397 : i32
        }
        %mul3A_261 = arith.constant 2 : i32
        %mul3A_262 = arith.muli %mul3A_261, %while3A_135 : i32
        %add3A_263 = arith.constant 1 : i32
        %add3A_264 = arith.addi %mul3A_262, %add3A_263 : i32
        %mul3A_265 = arith.constant 4096 : i32
        %mul3A_266 = arith.muli %add3A_264, %mul3A_265 : i32
        %add3A_267 = arith.addi %add3A_50, %mul3A_266 : i32
        %dma_wait3A_268 = tpu.memref_slice %arg2[%add3A_267] : memref<12582912xi32, #tpu.memory_space<hbm>> -> memref<4096xi32, #tpu.memory_space<hbm>>
        %dma_wait3A_269 = tpu.memref_slice %arg2[%add3A_267] : memref<12582912xi32, #tpu.memory_space<hbm>> -> memref<4096xi32, #tpu.memory_space<hbm>>
        tpu.wait_dma2 semaphore(%arg16 : memref<!tpu.dma_semaphore, #tpu.memory_space<semaphore_mem>>) src(%dma_wait3A_269 : memref<4096xi32, #tpu.memory_space<hbm>>) dst(%arg7 : memref<4096xi32, #tpu.memory_space<vmem>>)
        %dma_wait3A_270 = tpu.memref_slice %arg3[%add3A_267] : memref<12582912xf32, #tpu.memory_space<hbm>> -> memref<4096xf32, #tpu.memory_space<hbm>>
        %dma_wait3A_271 = tpu.memref_slice %arg3[%add3A_267] : memref<12582912xf32, #tpu.memory_space<hbm>> -> memref<4096xf32, #tpu.memory_space<hbm>>
        tpu.wait_dma2 semaphore(%arg16 : memref<!tpu.dma_semaphore, #tpu.memory_space<semaphore_mem>>) src(%dma_wait3A_271 : memref<4096xf32, #tpu.memory_space<hbm>>) dst(%arg9 : memref<4096xf32, #tpu.memory_space<vmem>>)
        %add3A_272 = arith.constant 1 : i32
        %add3A_273 = arith.addi %add3A_264, %add3A_272 : i32
        %lt3A_274 = arith.cmpi slt, %add3A_273, %select_n3A_48 : i32
        %convert_element_type3A_275 = arith.extui %lt3A_274 : i1 to i32
        %cond3A_276 = arith.constant 0 : i32
        %cond3A_277 = arith.cmpi ne, %convert_element_type3A_275, %cond3A_276 : i32
        scf.if %cond3A_277 {
          %add3A_387 = arith.constant 1 : i32
          %add3A_388 = arith.addi %add3A_264, %add3A_387 : i32
          %mul3A_389 = arith.constant 4096 : i32
          %mul3A_390 = arith.muli %add3A_388, %mul3A_389 : i32
          %add3A_391 = arith.addi %add3A_50, %mul3A_390 : i32
          %dma_start3A_392 = tpu.memref_slice %arg2[%add3A_391] : memref<12582912xi32, #tpu.memory_space<hbm>> -> memref<4096xi32, #tpu.memory_space<hbm>>
          %dma_start3A_393 = tpu.memref_slice %arg2[%add3A_391] : memref<12582912xi32, #tpu.memory_space<hbm>> -> memref<4096xi32, #tpu.memory_space<hbm>>
          tpu.enqueue_dma source(%dma_start3A_393 : memref<4096xi32, #tpu.memory_space<hbm>>) target(%arg6 : memref<4096xi32, #tpu.memory_space<vmem>>) target_semaphore(%arg15 : memref<!tpu.dma_semaphore, #tpu.memory_space<semaphore_mem>>)
          %dma_start3A_394 = tpu.memref_slice %arg3[%add3A_391] : memref<12582912xf32, #tpu.memory_space<hbm>> -> memref<4096xf32, #tpu.memory_space<hbm>>
          %dma_start3A_395 = tpu.memref_slice %arg3[%add3A_391] : memref<12582912xf32, #tpu.memory_space<hbm>> -> memref<4096xf32, #tpu.memory_space<hbm>>
          tpu.enqueue_dma source(%dma_start3A_395 : memref<4096xf32, #tpu.memory_space<hbm>>) target(%arg8 : memref<4096xf32, #tpu.memory_space<vmem>>) target_semaphore(%arg15 : memref<!tpu.dma_semaphore, #tpu.memory_space<semaphore_mem>>)
        } else {
        }
        %while3A_278 = arith.constant 0 : i32
        %while3A_279 = arith.constant 0 : i32
        %while3A_280 = arith.subi %while3A_137, %while3A_278 : i32
        %while3A_281 = arith.addi %while3A_278, %while3A_280 : i32
        %while3A_282 = arith.constant 1 : i32
        %while3A_283 = arith.divsi %while3A_280, %while3A_282 : i32
        %while3A_284 = arith.muli %while3A_283, %while3A_282 : i32
        %while3A_285 = arith.addi %while3A_278, %while3A_284 : i32
        %while3A_286 = arith.constant 1 : i32
        %while3A_287 = scf.for %while3A_387 = %while3A_278 to %while3A_285 step %while3A_286 iter_args(%while3A_388 = %while3A_279) -> (i32)  : i32 {
          %mul3A_389 = arith.constant 128 : i32
          %mul3A_390 = arith.muli %mul3A_389, %while3A_387 : i32
          %mul3A_391 = arith.constant 128 : i32
          %mul3A_392 = arith.muli %mul3A_391, %while3A_387 : i32
          %dma_wait3A_393 = tpu.memref_slice %arg13[%mul3A_390] : memref<256xf32, #tpu.memory_space<vmem>> -> memref<128xf32, #tpu.memory_space<vmem>>
          %dma_wait3A_394 = tpu.memref_slice %arg11[%mul3A_392] : memref<256xi32, #tpu.memory_space<vmem>> -> memref<128xi32, #tpu.memory_space<vmem>>
          %dma_wait3A_395 = arith.constant 0 : i32
          %dma_wait3A_396 = tpu.memref_slice %arg14[%dma_wait3A_395] : memref<1804288xf32, #tpu.memory_space<vmem_shared>> -> memref<1804288xf32, #tpu.memory_space<vmem_shared>>
          tpu.wait_indirect_dma semaphore(%arg18 : memref<!tpu.dma_semaphore, #tpu.memory_space<semaphore_mem>>) src(%dma_wait3A_393 : memref<128xf32, #tpu.memory_space<vmem>>) dst(%dma_wait3A_396 : memref<1804288xf32, #tpu.memory_space<vmem_shared>>)
          %while3A_397 = arith.constant 0 : i32
          scf.yield %while3A_397 : i32
        }
        %while3A_288 = arith.constant 1 : i32
        %while3A_289 = scf.for %while3A_387 = %while3A_285 to %while3A_281 step %while3A_288 iter_args(%while3A_388 = %while3A_287) -> (i32)  : i32 {
          %mul3A_389 = arith.constant 128 : i32
          %mul3A_390 = arith.muli %mul3A_389, %while3A_387 : i32
          %mul3A_391 = arith.constant 128 : i32
          %mul3A_392 = arith.muli %mul3A_391, %while3A_387 : i32
          %dma_wait3A_393 = tpu.memref_slice %arg13[%mul3A_390] : memref<256xf32, #tpu.memory_space<vmem>> -> memref<128xf32, #tpu.memory_space<vmem>>
          %dma_wait3A_394 = tpu.memref_slice %arg11[%mul3A_392] : memref<256xi32, #tpu.memory_space<vmem>> -> memref<128xi32, #tpu.memory_space<vmem>>
          %dma_wait3A_395 = arith.constant 0 : i32
          %dma_wait3A_396 = tpu.memref_slice %arg14[%dma_wait3A_395] : memref<1804288xf32, #tpu.memory_space<vmem_shared>> -> memref<1804288xf32, #tpu.memory_space<vmem_shared>>
          tpu.wait_indirect_dma semaphore(%arg18 : memref<!tpu.dma_semaphore, #tpu.memory_space<semaphore_mem>>) src(%dma_wait3A_393 : memref<128xf32, #tpu.memory_space<vmem>>) dst(%dma_wait3A_396 : memref<1804288xf32, #tpu.memory_space<vmem_shared>>)
          %while3A_397 = arith.constant 0 : i32
          scf.yield %while3A_397 : i32
        }
        %scan3A_290 = arith.constant 0 : i32
        %scan3A_291 = arith.constant 0 : i32
        %scan3A_292 = arith.addi %scan3A_290, %scan3A_291 : i32
        %scan3A_293 = arith.constant 0 : i32
        %reduce_max3A_294 = arith.constant true
        %reduce_max3A_295 = vector.broadcast %reduce_max3A_294 : i1 to vector<16xi1>
        %reduce_max3A_296 = arith.constant -2147483648 : i32
        %reduce_max3A_297 = vector.broadcast %reduce_max3A_296 : i32 to vector<16xi32>
        %reduce_max3A_298 = arith.xori %broadcast_in_dim3A_2, %reduce_max3A_297 : vector<16xi32>
        %reduce_max3A_299 = tpu.scan <max>, %reduce_max3A_298 masked %reduce_max3A_295 : vector<16xi32>, vector<16xi1> -> vector<16xi32>
        %reduce_max3A_300 = arith.xori %reduce_max3A_299, %reduce_max3A_297 : vector<16xi32>
        %reduce_max3A_301 = vector.extract %reduce_max3A_300[15] : i32 from vector<16xi32>
        %reduce_min3A_302 = arith.constant true
        %reduce_min3A_303 = vector.broadcast %reduce_min3A_302 : i1 to vector<16xi1>
        %reduce_min3A_304 = arith.constant -2147483648 : i32
        %reduce_min3A_305 = vector.broadcast %reduce_min3A_304 : i32 to vector<16xi32>
        %reduce_min3A_306 = arith.xori %broadcast_in_dim3A_2, %reduce_min3A_305 : vector<16xi32>
        %reduce_min3A_307 = tpu.scan <min>, %reduce_min3A_306 masked %reduce_min3A_303 : vector<16xi32>, vector<16xi1> -> vector<16xi32>
        %reduce_min3A_308 = arith.xori %reduce_min3A_307, %reduce_min3A_305 : vector<16xi32>
        %reduce_min3A_309 = vector.extract %reduce_min3A_308[15] : i32 from vector<16xi32>
        %add3A_310 = arith.constant 7 : i32
        %add3A_311 = arith.addi %reduce_max3A_301, %add3A_310 : i32
        %jit3A_312 = arith.constant 8 : i32
        %div3A_313 = arith.divsi %add3A_311, %jit3A_312 : i32
        %sign3A_314 = arith.constant 0 : i32
        %sign3A_315 = arith.cmpi sgt, %add3A_311, %sign3A_314 : i32
        %sign3A_316 = arith.extui %sign3A_315 : i1 to i32
        %sign3A_317 = arith.constant 0 : i32
        %sign3A_318 = arith.cmpi slt, %add3A_311, %sign3A_317 : i32
        %sign3A_319 = arith.extui %sign3A_318 : i1 to i32
        %sign3A_320 = arith.subi %sign3A_316, %sign3A_319 : i32
        %sign3A_321 = arith.constant 0 : i32
        %sign3A_322 = arith.cmpi sgt, %jit3A_312, %sign3A_321 : i32
        %sign3A_323 = arith.extui %sign3A_322 : i1 to i32
        %sign3A_324 = arith.constant 0 : i32
        %sign3A_325 = arith.cmpi slt, %jit3A_312, %sign3A_324 : i32
        %sign3A_326 = arith.extui %sign3A_325 : i1 to i32
        %sign3A_327 = arith.subi %sign3A_323, %sign3A_326 : i32
        %ne3A_328 = arith.cmpi ne, %sign3A_320, %sign3A_327 : i32
        %rem3A_329 = arith.remsi %add3A_311, %jit3A_312 : i32
        %ne3A_330 = arith.constant 0 : i32
        %ne3A_331 = arith.cmpi ne, %rem3A_329, %ne3A_330 : i32
        %and3A_332 = arith.andi %ne3A_328, %ne3A_331 : i1
        %sub3A_333 = arith.constant 1 : i32
        %sub3A_334 = arith.subi %div3A_313, %sub3A_333 : i32
        %select_n3A_335 = arith.select %and3A_332, %sub3A_334, %div3A_313 : i32
        %mul3A_336 = arith.constant 8 : i32
        %mul3A_337 = arith.muli %select_n3A_335, %mul3A_336 : i32
        %while3A_338 = arith.constant 0 : i32
        %while3A_339 = arith.subi %reduce_min3A_309, %reduce_min3A_309 : i32
        %while3A_340 = arith.addi %reduce_min3A_309, %while3A_339 : i32
        %while3A_341 = arith.constant 1 : i32
        %while3A_342 = arith.divsi %while3A_339, %while3A_341 : i32
        %while3A_343 = arith.muli %while3A_342, %while3A_341 : i32
        %while3A_344 = arith.addi %reduce_min3A_309, %while3A_343 : i32
        %while3A_345 = arith.constant 1 : i32
        %while3A_346 = scf.for %while3A_387 = %reduce_min3A_309 to %while3A_344 step %while3A_345 iter_args(%while3A_388 = %while3A_338) -> (i32)  : i32 {
          %ge3A_389 = vector.broadcast %while3A_387 : i32 to vector<16xi32>
          %ge3A_390 = arith.cmpi sge, %ge3A_389, %broadcast_in_dim3A_2 : vector<16xi32>
          %shift_left3A = arith.constant 4 : i32
          %shift_left3A_391 = arith.shli %while3A_387, %shift_left3A : i32
          %add3A_392 = vector.broadcast %shift_left3A_391 : i32 to vector<16xi32>
          %add3A_393 = arith.addi %add3A_392, %iota3A : vector<16xi32>
          tpu.vector_store_idx %arg11[%add3A_393], %add3A_6 masked %ge3A_390 : memref<256xi32, #tpu.memory_space<vmem>>[vector<16xi32>], vector<16xi32>, vector<16xi1>
          tpu.vector_store_idx %arg13[%add3A_393], %broadcast_in_dim3A_0 masked %ge3A_390 : memref<256xf32, #tpu.memory_space<vmem>>[vector<16xi32>], vector<16xf32>, vector<16xi1>
          %while3A_394 = arith.constant 0 : i32
          scf.yield %while3A_394 : i32
        }
        %while3A_347 = arith.constant 1 : i32
        %while3A_348 = scf.for %while3A_387 = %while3A_344 to %while3A_340 step %while3A_347 iter_args(%while3A_388 = %while3A_346) -> (i32)  : i32 {
          %ge3A_389 = vector.broadcast %while3A_387 : i32 to vector<16xi32>
          %ge3A_390 = arith.cmpi sge, %ge3A_389, %broadcast_in_dim3A_2 : vector<16xi32>
          %shift_left3A = arith.constant 4 : i32
          %shift_left3A_391 = arith.shli %while3A_387, %shift_left3A : i32
          %add3A_392 = vector.broadcast %shift_left3A_391 : i32 to vector<16xi32>
          %add3A_393 = arith.addi %add3A_392, %iota3A : vector<16xi32>
          tpu.vector_store_idx %arg11[%add3A_393], %add3A_6 masked %ge3A_390 : memref<256xi32, #tpu.memory_space<vmem>>[vector<16xi32>], vector<16xi32>, vector<16xi1>
          tpu.vector_store_idx %arg13[%add3A_393], %broadcast_in_dim3A_0 masked %ge3A_390 : memref<256xf32, #tpu.memory_space<vmem>>[vector<16xi32>], vector<16xf32>, vector<16xi1>
          %while3A_394 = arith.constant 0 : i32
          scf.yield %while3A_394 : i32
        }
        %mul3A_349 = arith.constant 0 : i32
        %mul3A_350 = arith.muli %mul3A_337, %mul3A_349 : i32
        %jit3A_351 = arith.constant 8 : i32
        %div3A_352 = arith.divsi %mul3A_350, %jit3A_351 : i32
        %sign3A_353 = arith.constant 0 : i32
        %sign3A_354 = arith.cmpi sgt, %mul3A_350, %sign3A_353 : i32
        %sign3A_355 = arith.extui %sign3A_354 : i1 to i32
        %sign3A_356 = arith.constant 0 : i32
        %sign3A_357 = arith.cmpi slt, %mul3A_350, %sign3A_356 : i32
        %sign3A_358 = arith.extui %sign3A_357 : i1 to i32
        %sign3A_359 = arith.subi %sign3A_355, %sign3A_358 : i32
        %sign3A_360 = arith.constant 0 : i32
        %sign3A_361 = arith.cmpi sgt, %jit3A_351, %sign3A_360 : i32
        %sign3A_362 = arith.extui %sign3A_361 : i1 to i32
        %sign3A_363 = arith.constant 0 : i32
        %sign3A_364 = arith.cmpi slt, %jit3A_351, %sign3A_363 : i32
        %sign3A_365 = arith.extui %sign3A_364 : i1 to i32
        %sign3A_366 = arith.subi %sign3A_362, %sign3A_365 : i32
        %ne3A_367 = arith.cmpi ne, %sign3A_359, %sign3A_366 : i32
        %rem3A_368 = arith.remsi %mul3A_350, %jit3A_351 : i32
        %ne3A_369 = arith.constant 0 : i32
        %ne3A_370 = arith.cmpi ne, %rem3A_368, %ne3A_369 : i32
        %and3A_371 = arith.andi %ne3A_367, %ne3A_370 : i1
        %sub3A_372 = arith.constant 1 : i32
        %sub3A_373 = arith.subi %div3A_352, %sub3A_372 : i32
        %select_n3A_374 = arith.select %and3A_371, %sub3A_373, %div3A_352 : i32
        %while3A_375 = arith.constant 0 : i32
        %while3A_376 = arith.constant 0 : i32
        %while3A_377 = arith.subi %select_n3A_374, %while3A_375 : i32
        %while3A_378 = arith.addi %while3A_375, %while3A_377 : i32
        %while3A_379 = arith.constant 1 : i32
        %while3A_380 = arith.divsi %while3A_377, %while3A_379 : i32
        %while3A_381 = arith.muli %while3A_380, %while3A_379 : i32
        %while3A_382 = arith.addi %while3A_375, %while3A_381 : i32
        %while3A_383 = arith.constant 1 : i32
        %while3A_384 = scf.for %while3A_387 = %while3A_375 to %while3A_382 step %while3A_383 iter_args(%while3A_388 = %while3A_376) -> (i32)  : i32 {
          %mul3A_389 = arith.constant 128 : i32
          %mul3A_390 = arith.muli %mul3A_389, %while3A_387 : i32
          %mul3A_391 = arith.constant 128 : i32
          %mul3A_392 = arith.muli %mul3A_391, %while3A_387 : i32
          %dma_start3A_393 = tpu.memref_slice %arg13[%mul3A_390] : memref<256xf32, #tpu.memory_space<vmem>> -> memref<128xf32, #tpu.memory_space<vmem>>
          %dma_start3A_394 = tpu.memref_slice %arg11[%mul3A_392] : memref<256xi32, #tpu.memory_space<vmem>> -> memref<128xi32, #tpu.memory_space<vmem>>
          %dma_start3A_395 = arith.constant 0 : i32
          %dma_start3A_396 = tpu.memref_slice %arg14[%dma_start3A_395] : memref<1804288xf32, #tpu.memory_space<vmem_shared>> -> memref<1804288xf32, #tpu.memory_space<vmem_shared>>
          tpu.enqueue_indirect_dma source(%dma_start3A_393 : memref<128xf32, #tpu.memory_space<vmem>>) target(%dma_start3A_396 : memref<1804288xf32, #tpu.memory_space<vmem_shared>>) offsets(%dma_start3A_394 : memref<128xi32, #tpu.memory_space<vmem>>) semaphore(%arg18 : memref<!tpu.dma_semaphore, #tpu.memory_space<semaphore_mem>>) {add = true}
          %while3A_397 = arith.constant 0 : i32
          scf.yield %while3A_397 : i32
        }
        %while3A_385 = arith.constant 1 : i32
        %while3A_386 = scf.for %while3A_387 = %while3A_382 to %while3A_378 step %while3A_385 iter_args(%while3A_388 = %while3A_384) -> (i32)  : i32 {
          %mul3A_389 = arith.constant 128 : i32
          %mul3A_390 = arith.muli %mul3A_389, %while3A_387 : i32
          %mul3A_391 = arith.constant 128 : i32
          %mul3A_392 = arith.muli %mul3A_391, %while3A_387 : i32
          %dma_start3A_393 = tpu.memref_slice %arg13[%mul3A_390] : memref<256xf32, #tpu.memory_space<vmem>> -> memref<128xf32, #tpu.memory_space<vmem>>
          %dma_start3A_394 = tpu.memref_slice %arg11[%mul3A_392] : memref<256xi32, #tpu.memory_space<vmem>> -> memref<128xi32, #tpu.memory_space<vmem>>
          %dma_start3A_395 = arith.constant 0 : i32
          %dma_start3A_396 = tpu.memref_slice %arg14[%dma_start3A_395] : memref<1804288xf32, #tpu.memory_space<vmem_shared>> -> memref<1804288xf32, #tpu.memory_space<vmem_shared>>
          tpu.enqueue_indirect_dma source(%dma_start3A_393 : memref<128xf32, #tpu.memory_space<vmem>>) target(%dma_start3A_396 : memref<1804288xf32, #tpu.memory_space<vmem_shared>>) offsets(%dma_start3A_394 : memref<128xi32, #tpu.memory_space<vmem>>) semaphore(%arg18 : memref<!tpu.dma_semaphore, #tpu.memory_space<semaphore_mem>>) {add = true}
          %while3A_397 = arith.constant 0 : i32
          scf.yield %while3A_397 : i32
        }
        scf.yield %select_n3A_248, %select_n3A_374 : i32, i32
      }
      %while3A_101 = arith.constant 0 : i32
      %while3A_102 = arith.constant 0 : i32
      %while3A_103 = arith.subi %while3A_100#0, %while3A_101 : i32
      %while3A_104 = arith.addi %while3A_101, %while3A_103 : i32
      %while3A_105 = arith.constant 1 : i32
      %while3A_106 = arith.divsi %while3A_103, %while3A_105 : i32
      %while3A_107 = arith.muli %while3A_106, %while3A_105 : i32
      %while3A_108 = arith.addi %while3A_101, %while3A_107 : i32
      %while3A_109 = arith.constant 1 : i32
      %while3A_110 = scf.for %while3A_135 = %while3A_101 to %while3A_108 step %while3A_109 iter_args(%while3A_136 = %while3A_102) -> (i32)  : i32 {
        %mul3A_137 = arith.constant 128 : i32
        %mul3A_138 = arith.muli %mul3A_137, %while3A_135 : i32
        %mul3A_139 = arith.constant 128 : i32
        %mul3A_140 = arith.muli %mul3A_139, %while3A_135 : i32
        %dma_wait3A = tpu.memref_slice %arg12[%mul3A_138] : memref<256xf32, #tpu.memory_space<vmem>> -> memref<128xf32, #tpu.memory_space<vmem>>
        %dma_wait3A_141 = tpu.memref_slice %arg10[%mul3A_140] : memref<256xi32, #tpu.memory_space<vmem>> -> memref<128xi32, #tpu.memory_space<vmem>>
        %dma_wait3A_142 = arith.constant 0 : i32
        %dma_wait3A_143 = tpu.memref_slice %arg14[%dma_wait3A_142] : memref<1804288xf32, #tpu.memory_space<vmem_shared>> -> memref<1804288xf32, #tpu.memory_space<vmem_shared>>
        tpu.wait_indirect_dma semaphore(%arg17 : memref<!tpu.dma_semaphore, #tpu.memory_space<semaphore_mem>>) src(%dma_wait3A : memref<128xf32, #tpu.memory_space<vmem>>) dst(%dma_wait3A_143 : memref<1804288xf32, #tpu.memory_space<vmem_shared>>)
        %while3A_144 = arith.constant 0 : i32
        scf.yield %while3A_144 : i32
      }
      %while3A_111 = arith.constant 1 : i32
      %while3A_112 = scf.for %while3A_135 = %while3A_108 to %while3A_104 step %while3A_111 iter_args(%while3A_136 = %while3A_110) -> (i32)  : i32 {
        %mul3A_137 = arith.constant 128 : i32
        %mul3A_138 = arith.muli %mul3A_137, %while3A_135 : i32
        %mul3A_139 = arith.constant 128 : i32
        %mul3A_140 = arith.muli %mul3A_139, %while3A_135 : i32
        %dma_wait3A = tpu.memref_slice %arg12[%mul3A_138] : memref<256xf32, #tpu.memory_space<vmem>> -> memref<128xf32, #tpu.memory_space<vmem>>
        %dma_wait3A_141 = tpu.memref_slice %arg10[%mul3A_140] : memref<256xi32, #tpu.memory_space<vmem>> -> memref<128xi32, #tpu.memory_space<vmem>>
        %dma_wait3A_142 = arith.constant 0 : i32
        %dma_wait3A_143 = tpu.memref_slice %arg14[%dma_wait3A_142] : memref<1804288xf32, #tpu.memory_space<vmem_shared>> -> memref<1804288xf32, #tpu.memory_space<vmem_shared>>
        tpu.wait_indirect_dma semaphore(%arg17 : memref<!tpu.dma_semaphore, #tpu.memory_space<semaphore_mem>>) src(%dma_wait3A : memref<128xf32, #tpu.memory_space<vmem>>) dst(%dma_wait3A_143 : memref<1804288xf32, #tpu.memory_space<vmem_shared>>)
        %while3A_144 = arith.constant 0 : i32
        scf.yield %while3A_144 : i32
      }
      %while3A_113 = arith.constant 0 : i32
      %while3A_114 = arith.constant 0 : i32
      %while3A_115 = arith.subi %while3A_100#1, %while3A_113 : i32
      %while3A_116 = arith.addi %while3A_113, %while3A_115 : i32
      %while3A_117 = arith.constant 1 : i32
      %while3A_118 = arith.divsi %while3A_115, %while3A_117 : i32
      %while3A_119 = arith.muli %while3A_118, %while3A_117 : i32
      %while3A_120 = arith.addi %while3A_113, %while3A_119 : i32
      %while3A_121 = arith.constant 1 : i32
      %while3A_122 = scf.for %while3A_135 = %while3A_113 to %while3A_120 step %while3A_121 iter_args(%while3A_136 = %while3A_114) -> (i32)  : i32 {
        %mul3A_137 = arith.constant 128 : i32
        %mul3A_138 = arith.muli %mul3A_137, %while3A_135 : i32
        %mul3A_139 = arith.constant 128 : i32
        %mul3A_140 = arith.muli %mul3A_139, %while3A_135 : i32
        %dma_wait3A = tpu.memref_slice %arg13[%mul3A_138] : memref<256xf32, #tpu.memory_space<vmem>> -> memref<128xf32, #tpu.memory_space<vmem>>
        %dma_wait3A_141 = tpu.memref_slice %arg11[%mul3A_140] : memref<256xi32, #tpu.memory_space<vmem>> -> memref<128xi32, #tpu.memory_space<vmem>>
        %dma_wait3A_142 = arith.constant 0 : i32
        %dma_wait3A_143 = tpu.memref_slice %arg14[%dma_wait3A_142] : memref<1804288xf32, #tpu.memory_space<vmem_shared>> -> memref<1804288xf32, #tpu.memory_space<vmem_shared>>
        tpu.wait_indirect_dma semaphore(%arg18 : memref<!tpu.dma_semaphore, #tpu.memory_space<semaphore_mem>>) src(%dma_wait3A : memref<128xf32, #tpu.memory_space<vmem>>) dst(%dma_wait3A_143 : memref<1804288xf32, #tpu.memory_space<vmem_shared>>)
        %while3A_144 = arith.constant 0 : i32
        scf.yield %while3A_144 : i32
      }
      %while3A_123 = arith.constant 1 : i32
      %while3A_124 = scf.for %while3A_135 = %while3A_120 to %while3A_116 step %while3A_123 iter_args(%while3A_136 = %while3A_122) -> (i32)  : i32 {
        %mul3A_137 = arith.constant 128 : i32
        %mul3A_138 = arith.muli %mul3A_137, %while3A_135 : i32
        %mul3A_139 = arith.constant 128 : i32
        %mul3A_140 = arith.muli %mul3A_139, %while3A_135 : i32
        %dma_wait3A = tpu.memref_slice %arg13[%mul3A_138] : memref<256xf32, #tpu.memory_space<vmem>> -> memref<128xf32, #tpu.memory_space<vmem>>
        %dma_wait3A_141 = tpu.memref_slice %arg11[%mul3A_140] : memref<256xi32, #tpu.memory_space<vmem>> -> memref<128xi32, #tpu.memory_space<vmem>>
        %dma_wait3A_142 = arith.constant 0 : i32
        %dma_wait3A_143 = tpu.memref_slice %arg14[%dma_wait3A_142] : memref<1804288xf32, #tpu.memory_space<vmem_shared>> -> memref<1804288xf32, #tpu.memory_space<vmem_shared>>
        tpu.wait_indirect_dma semaphore(%arg18 : memref<!tpu.dma_semaphore, #tpu.memory_space<semaphore_mem>>) src(%dma_wait3A : memref<128xf32, #tpu.memory_space<vmem>>) dst(%dma_wait3A_143 : memref<1804288xf32, #tpu.memory_space<vmem_shared>>)
        %while3A_144 = arith.constant 0 : i32
        scf.yield %while3A_144 : i32
      }
      %barrier3A_125 = arith.constant 0 : index
      tpu.barrier barrier_id(%barrier3A_125)
      %lt3A_126 = arith.constant 27 : i32
      %lt3A_127 = arith.cmpi slt, %add3A_17, %lt3A_126 : i32
      %convert_element_type3A = arith.extui %lt3A_127 : i1 to i32
      %cond3A = arith.constant 0 : i32
      %cond3A_128 = arith.cmpi ne, %convert_element_type3A, %cond3A : i32
      scf.if %cond3A_128 {
        %mul3A_135 = arith.constant 112640 : i32
        %mul3A_136 = arith.muli %arg1, %mul3A_135 : i32
        %mul3A_137 = arith.constant 112640 : i32
        %mul3A_138 = arith.muli %arg1, %mul3A_137 : i32
        %add3A_139 = arith.addi %mul3A_19, %mul3A_138 : i32
        "tpu.region"() ({
          %run_scoped3A = tpu.sem_alloc : memref<!tpu.dma_semaphore, #tpu.memory_space<semaphore_mem>>
          %dma_start3A_140 = tpu.memref_slice %arg5[%add3A_139] : memref<50331648xf32, #tpu.memory_space<hbm>> -> memref<112640xf32, #tpu.memory_space<hbm>>
          %dma_start3A_141 = tpu.memref_slice %arg14[%mul3A_136] : memref<1804288xf32, #tpu.memory_space<vmem_shared>> -> memref<112640xf32, #tpu.memory_space<vmem_shared>>
          tpu.enqueue_dma source(%dma_start3A_141 : memref<112640xf32, #tpu.memory_space<vmem_shared>>) target(%dma_start3A_140 : memref<112640xf32, #tpu.memory_space<hbm>>) target_semaphore(%run_scoped3A : memref<!tpu.dma_semaphore, #tpu.memory_space<semaphore_mem>>)
          %dma_wait3A = tpu.memref_slice %arg5[%add3A_139] : memref<50331648xf32, #tpu.memory_space<hbm>> -> memref<112640xf32, #tpu.memory_space<hbm>>
          %dma_wait3A_142 = tpu.memref_slice %arg14[%mul3A_136] : memref<1804288xf32, #tpu.memory_space<vmem_shared>> -> memref<112640xf32, #tpu.memory_space<vmem_shared>>
          tpu.wait_dma2 semaphore(%run_scoped3A : memref<!tpu.dma_semaphore, #tpu.memory_space<semaphore_mem>>) src(%dma_wait3A_142 : memref<112640xf32, #tpu.memory_space<vmem_shared>>) dst(%dma_wait3A : memref<112640xf32, #tpu.memory_space<hbm>>)
          tpu.yield
        }) : () -> ()
      } else {
      }
      %eq3A = arith.constant 27 : i32
      %eq3A_129 = arith.cmpi eq, %add3A_17, %eq3A : i32
      %convert_element_type3A_130 = arith.extui %eq3A_129 : i1 to i32
      %cond3A_131 = arith.constant 0 : i32
      %cond3A_132 = arith.cmpi ne, %convert_element_type3A_130, %cond3A_131 : i32
      scf.if %cond3A_132 {
        %mul3A_135 = arith.constant 104448 : i32
        %mul3A_136 = arith.muli %arg1, %mul3A_135 : i32
        %mul3A_137 = arith.constant 104448 : i32
        %mul3A_138 = arith.muli %arg1, %mul3A_137 : i32
        %add3A_139 = arith.addi %mul3A_19, %mul3A_138 : i32
        "tpu.region"() ({
          %run_scoped3A = tpu.sem_alloc : memref<!tpu.dma_semaphore, #tpu.memory_space<semaphore_mem>>
          %dma_start3A_140 = tpu.memref_slice %arg5[%add3A_139] : memref<50331648xf32, #tpu.memory_space<hbm>> -> memref<104448xf32, #tpu.memory_space<hbm>>
          %dma_start3A_141 = tpu.memref_slice %arg14[%mul3A_136] : memref<1804288xf32, #tpu.memory_space<vmem_shared>> -> memref<104448xf32, #tpu.memory_space<vmem_shared>>
          tpu.enqueue_dma source(%dma_start3A_141 : memref<104448xf32, #tpu.memory_space<vmem_shared>>) target(%dma_start3A_140 : memref<104448xf32, #tpu.memory_space<hbm>>) target_semaphore(%run_scoped3A : memref<!tpu.dma_semaphore, #tpu.memory_space<semaphore_mem>>)
          %dma_wait3A = tpu.memref_slice %arg5[%add3A_139] : memref<50331648xf32, #tpu.memory_space<hbm>> -> memref<104448xf32, #tpu.memory_space<hbm>>
          %dma_wait3A_142 = tpu.memref_slice %arg14[%mul3A_136] : memref<1804288xf32, #tpu.memory_space<vmem_shared>> -> memref<104448xf32, #tpu.memory_space<vmem_shared>>
          tpu.wait_dma2 semaphore(%run_scoped3A : memref<!tpu.dma_semaphore, #tpu.memory_space<semaphore_mem>>) src(%dma_wait3A_142 : memref<104448xf32, #tpu.memory_space<vmem_shared>>) dst(%dma_wait3A : memref<104448xf32, #tpu.memory_space<hbm>>)
          tpu.yield
        }) : () -> ()
      } else {
      }
      %barrier3A_133 = arith.constant 0 : index
      tpu.barrier barrier_id(%barrier3A_133)
      %scan3A_134 = arith.constant 0 : i32
      scf.yield %scan3A_134 : i32
    }
    %scan3A_12 = arith.constant 14 : i32
    return
  }
}

</mosaic_0001>

<sc_bundles>
// kernel: kernel.3.cloned.1.call-start
scs
__scs_entry_jumppad:
0x0: {  	(pc) =	sbr.rel $0x88, $3  }
0x1: {  	(tag) =	ssettag $0x0;
	lr =	simm.s32 $0x1  }
0x2: {  	[smem:$0x3F9F] =	sst lr;
	_ =	strace $0xD0000000  }
0x3: {  	_ = 	snop  }
0x4: {  	_ = 	snop  }
0x5: {  	_ = 	snop  }
0x6: {  	_ = 	snop  }
0x7: {  	_ = 	snop  }
__scs_overlays_trampoline_lowered:
0x8: {  	[smem:$0x3FAE] =	sst s0  }
0x9: {  	[smem:$0x3FAF] =	sst s1  }
0xa: {  	[smem:$0x3FB0] =	sst s2  }
0xb: {  	[smem:$0x3FB1] =	sst s3  }
0xc: {  	[smem:$0x3FB2] =	sst s4  }
0xd: {  	[smem:$0x3FB3] =	sst s5  }
0xe: {  	[smem:$0x3FB4] =	sst s6  }
0xf: {  	[smem:$0x3FB5] =	sst s7  }
0x10: {  	[smem:$0x3FB6] =	sst s8  }
0x11: {  	[smem:$0x3FB7] =	sst s9;
	s0 =	simm.s32 @!p0 $0x0  }
0x12: {  	s1 =	sld [smem:$0x3F9D];
	s0 =	simm.s32 @p0 $0x1  }
0x13: {  	[smem:$0x3FB8] =	sst s0;
	s0 =	simm.s32 @!p1 $0x0  }
0x14: {  	s2 =	sld [smem:$0x3F9C];
	s0 =	simm.s32 @p1 $0x1  }
0x15: {  	[smem:$0x3FB9] =	sst s0;
	s0 =	simm.s32 @!p2 $0x0  }
0x16: {  	s3 =	sld [smem:$0x3FDB];
	s0 =	simm.s32 @p2 $0x1  }
0x17: {  	s4 =	simm.s32 $0x1BF5;
	[smem:$0x3FBB] =	sst s0  }
0x18: {  	s0 =	sld [smem:$0x3F9E];
	_ =	swait.ge [sflag:s4], $0x0  }
0x19: {  	s7 =	sld [smem:$0x3F9F]  }
0x1a: {  	s8 =	sadd.s32 $0xFFFFE003, lr  }
0x1b: {  	s9 =	sadd.s32 $0xFFFFFEF7, lr;
	s5 =	simm.s32 $0xFFFFFFFF;
	p2 =	slt.u32 s8, $0xFFFFF086  }
0x1c: {  	p1 =	slt.u32 s9, $0xF7A;
	s5 =	simm.s32 @!p2 $0x0  }
0x1d: {  	s5 =	simm.s32 @p1 $0x1;
	p0 =	seq.s32 s7, s2  }
0x1e: {  	s7 =	smul.u32 @!p0 $0xF7A, s2;
	p2 =	seq.s32 @!p0 s5, $0x0  }
0x1f: {  	s9 =	smul.u32 $0xF7A, s1;
	s8 =	simm.s32 @!p0 $0x1BF5;
	p2 =	por !p2, p0  }
0x20: {  	[sflag:s8] =	ssyncset.s32 @!p0 $0xFFFFF086;
	s6 =	sadd.s32 @!p0 s3, s7;
	s7 =	simm.s32 @!p0 $0x108  }
0x21: {  	s3 =	sadd.s32 s3, s9;
	s6 =	sadd.s32 @!p0 $0x88, s6;
	s7 =	simm.s32 @p2 $0x1082  }
0x22: {  	[simem:s7], [sflag:s8] =	dma.local @!p0 [hbm:s6], $0xF7A  }
0x23: {  	s9 =	sor.u32 $0xD0000000, s2;
	s6 =	simm.s32 $0x108;
	_ =	swait.ge @!p0 [sflag:s8], $0x0  }
0x24: {  	s3 =	sadd.s32 $0x88, s3;
	s6 =	simm.s32 @!p1 $0x1082;
	[sflag:s4] =	ssyncset.s32 $0xFFFFF086  }
0x25: {  	[simem:s6], [sflag:s4] =	dma.local [hbm:s3], $0xF7A  }
0x26: {  	[smem:$0x3F9F] =	sst s1;
	(tag) =	ssettag s2;
	_ =	strace s9  }
0x27: {  	s1 =	sld [smem:$0x3FAF]  }
0x28: {  	s2 =	sld [smem:$0x3FB0]  }
0x29: {  	s4 =	sld [smem:$0x3FB2]  }
0x2a: {  	p0 =	seq.s32 s5, $0x0;
	s5 =	sld [smem:$0x3FB3]  }
0x2b: {  	s6 =	sld [smem:$0x3FB4]  }
0x2c: {  	s7 =	sld [smem:$0x3FB5]  }
0x2d: {  	s3 =	simm.s32 $0x108;
	s8 =	sld [smem:$0x3FB6]  }
0x2e: {  	s3 =	simm.s32 @!p0 $0x1082;
	s9 =	sld [smem:$0x3FB7]  }
0x2f: {  	lr =	sadd.s32 s0, s3;
	s0 =	sld [smem:$0x3FAE]  }
0x30: {  	s3 =	sld [smem:$0x3FB1]  }
0x31: {  	[smem:$0x3FBA] =	sst s10  }
0x32: {  	s10 =	sld [smem:$0x3FB8];
	_ =	sdelay $0x3  }
0x33: {  	p0 =	seq.s32 s10, $0x1;
	s10 =	sld [smem:$0x3FBA];
	_ =	sdelay $0x3  }
0x34: {  	[smem:$0x3FBA] =	sst s10  }
0x35: {  	s10 =	sld [smem:$0x3FB9];
	_ =	sdelay $0x3  }
0x36: {  	p1 =	seq.s32 s10, $0x1;
	s10 =	sld [smem:$0x3FBA];
	_ =	sdelay $0x3  }
0x37: {  	[smem:$0x3FBA] =	sst s10  }
0x38: {  	s10 =	sld [smem:$0x3FBB]  }
0x39: {  	_ = 	snop;
	(pc) =	sbr.ind lr, $3  }
0x3a: {  	_ = 	snop  }
0x3b: {  	_ = 	snop  }
0x3c: {  	p2 =	seq.s32 s10, $0x1;
	s10 =	sld [smem:$0x3FBA]  }
0x3d: {  	_ =	shalt  }
0x3e: {  	_ =	shalt  }
0x3f: {  	_ =	shalt  }
0x40: {  	_ =	shalt  }
0x41: {  	_ =	shalt  }
0x42: {  	_ =	shalt  }
0x43: {  	_ =	shalt  }
0x44: {  	_ =	shalt  }
0x45: {  	_ =	shalt  }
0x46: {  	_ =	shalt  }
0x47: {  	_ =	shalt  }
0x48: {  	_ =	shalt  }
0x49: {  	_ =	shalt  }
0x4a: {  	_ =	shalt  }
0x4b: {  	_ =	shalt  }
0x4c: {  	_ =	shalt  }
0x4d: {  	_ =	shalt  }
0x4e: {  	_ =	shalt  }
0x4f: {  	_ =	shalt  }
0x50: {  	_ =	shalt  }
0x51: {  	_ =	shalt  }
0x52: {  	_ =	shalt  }
0x53: {  	_ =	shalt  }
0x54: {  	_ =	shalt  }
0x55: {  	_ =	shalt  }
0x56: {  	_ =	shalt  }
0x57: {  	_ =	shalt  }
0x58: {  	_ =	shalt  }
0x59: {  	_ =	shalt  }
0x5a: {  	_ =	shalt  }
0x5b: {  	_ =	shalt  }
0x5c: {  	_ =	shalt  }
0x5d: {  	_ =	shalt  }
0x5e: {  	_ =	shalt  }
0x5f: {  	_ =	shalt  }
0x60: {  	_ =	shalt  }
0x61: {  	_ =	shalt  }
0x62: {  	_ =	shalt  }
0x63: {  	_ =	shalt  }
0x64: {  	_ =	shalt  }
0x65: {  	_ =	shalt  }
0x66: {  	_ =	shalt  }
0x67: {  	_ =	shalt  }
0x68: {  	_ =	shalt  }
0x69: {  	_ =	shalt  }
0x6a: {  	_ =	shalt  }
0x6b: {  	_ =	shalt  }
0x6c: {  	_ =	shalt  }
0x6d: {  	_ =	shalt  }
0x6e: {  	_ =	shalt  }
0x6f: {  	_ =	shalt  }
0x70: {  	_ =	shalt  }
0x71: {  	_ =	shalt  }
0x72: {  	_ =	shalt  }
0x73: {  	_ =	shalt  }
0x74: {  	_ =	shalt  }
0x75: {  	_ =	shalt  }
0x76: {  	_ =	shalt  }
0x77: {  	_ =	shalt  }
0x78: {  	_ =	shalt  }
0x79: {  	_ =	shalt  }
0x7a: {  	_ =	shalt  }
0x7b: {  	_ =	shalt  }
0x7c: {  	_ =	shalt  }
0x7d: {  	_ =	shalt  }
0x7e: {  	_ =	shalt  }
0x7f: {  	_ =	shalt  }
0x80: {  	_ =	shalt  }
0x81: {  	_ =	shalt  }
0x82: {  	_ =	shalt  }
0x83: {  	_ =	shalt  }
0x84: {  	_ =	shalt  }
0x85: {  	_ =	shalt  }
0x86: {  	_ =	shalt  }
0x87: {  	_ =	shalt  }
.Lfunc_end0:
.L_simem_size_0:
called_computation.1_lowered:
.L_overlay_start_0:
0x88: {  	s2 =	sld [smem:$0x3FD9]  }
0x89: {  	s3 =	sld [smem:$0x3FFE];
	_ =	sdelay $0x1  }
0x8a: {  	s1 =	srdreg.scid  }
0x8b: {  	s0 =	sand.u32 $0x1, s1  }
0x8c: {  	s17 =	sshll.u32 s0, $0xA;
	s2 =	sadd.s32 s3, s2  }
0x8d: {  	s2 =	sadd.s32 s2, s17  }
0x8e: {  	[smem:$0x3FC6] =	sst s2  }
0x8f: {  	_ = 	snop  }
0x90: {  	s2 =	sld [smem:$0x3FD0];
	(tm) =	ssettm $0x1  }
0x91: {  	s18 =	sld [smem:$0x3FFB];
	_ =	sdelay $0x3  }
0x92: {  	_ =	strace s18  }
0x93: {  	s3 =	sld [smem:$0x3FFC];
	_ =	sdelay $0x3  }
0x94: {  	_ =	strace s3  }
0x95: {  	s3 =	sld [smem:$0x3FFD];
	_ =	sdelay $0x3  }
0x96: {  	_ =	strace s3  }
0x97: {  	_ =	strace $0x8FFFFFFF  }
0x98: {  	s19 =	sld [smem:$0x3FDB];
	_ =	sdelay $0x1  }
0x99: {  	s4 =	simm.s32 $_scs_section_size  }
0x9a: {  	s5 =	simm.s32 $_size__tile_overlayer_lowered;
	s6 =	simm.s32 $_tile_overlayer_lowered  }
0x9b: {  	s22 =	simm.s32 $0x1BFF;
	s21 =	sshll.u32 s6, $0x1;
	s3 =	sadd.s32 s4, s19  }
0x9c: {  	s7 =	simm.s32 $0x0;
	s20 =	sshll.u32 s5, $0x1;
	s5 =	sadd.s32 s21, s3  }
0x9d: {  	[timem:s7], [sflag:s22] =	dma.local [hbm:s5], s20  }
0x9e: {  	_ =	swait.ge [sflag:s22], s20  }
0x9f: {  	s4 =	ssub.s32 $0x0, s20;
	[sflag:s22] =	ssyncset.done $0x0  }
0xa0: {  	[sflag:s22] =	ssyncadd.s32 s4;
	_ =	sdelay $0x1  }
0xa1: {  	s23 =	simm.s32 $0x1B8B  }
0xa2: {  	_ =	swait.ge [sflag:s23], $0x1  }
0xa3: {  	[sflag:s23] =	ssyncset.done $0x0  }
0xa4: {  	s25 =	simm.s32 $0x1B8E;
	s24 =	sld [smem:$0x3FFE];
	[sflag:s23] =	ssyncadd.s32 $0xFFFFFFFF  }
0xa5: {  	s26 =	simm.s32 $execute0_lowered;
	[smem:$0x3FD2] =	sst s25  }
0xa6: {  	s5 =	sshll.u32 s26, $0x1;
	_ =	strace $0x80000046;
	[dreg:$0x1] =	wrdreg $0xFFFFFFFF  }
0xa7: {  	s28 =	simm.s32 $_size_execute0_lowered;
	s3 =	sadd.s32 s3, s5;
	[dreg:$0x0] =	wrdreg $0x0  }
0xa8: {  	s5 =	sshll.u32 s28, $0x1;
	[dreg:$0x2] =	wrdreg s3  }
0xa9: {  	[dreg:$0x3] =	wrdreg s5  }
0xaa: {  	[dreg:$0x4] =	wrdreg $0xC0  }
0xab: {  	_ =	task [dreg:s7], $0x5FFFF  }
0xac: {  	[dreg:$0x1] =	wrdreg $0xFFFFFFFF  }
0xad: {  	[dreg:$0x0] =	wrdreg $0x60  }
0xae: {  	[dreg:$0x2] =	wrdreg s24  }
0xaf: {  	[dreg:$0x3] =	wrdreg s2  }
0xb0: {  	[dreg:$0x4] =	wrdreg $0x40000  }
0xb1: {  	[dreg:$0x5] =	wrdreg $0x9  }
0xb2: {  	_ =	task.clear_ibuf [dreg:s7], $0x6FFFF;
	_ =	strace $0x90000046  }
0xb3: {  	s29 =	simm.s32 $0x9;
	_ =	strace $0x80000048  }
0xb4: {  	_ =	swait.ge [sflag:s29], $0x1  }
0xb5: {  	[sflag:s29] =	ssyncadd.s32 $0xFFFFFFFF  }
0xb6: {  	_ =	strace $0x90000048  }
0xb7: {  	_ =	sfence  }
0xb8: {  	s30 =	sld [smem:$0x0];
	_ =	sdelay $0x2  }
0xb9: {  	s31 =	sshll.u32 s1, $0xD;
	s1 =	sshrl.u32 s1, $0x2  }
0xba: {  	s3 =	sand.u32 $0x4000, s31;
	s1 =	sadd.s32 s1, s30  }
0xbb: {  	s0 =	sor.u32 s3, s0;
	s1 =	sshll.u32 s1, $0x11  }
0xbc: {  	s0 =	sor.u32 s1, s0  }
0xbd: {  	s0 =	sadd.s32 $0x8F2B, s0  }
0xbe: {  	[sflag:s0] =	ssyncadd.remote.s32 $0x1  }
0xbf: {  	_ =	sfence.sel $0xFFFF  }
0xc0: {  	[dreg:$0x0] =	wrdreg $0xFFFFFFFF;
	(pc) =	sbr.abs _section_cstart, $3  }
0xc1: {  	[dreg:$0x1] =	wrdreg $0xFFFFFFFF  }
0xc2: {  	_ =	task.clear_ibuf [dreg:s7], $0x2FFFF;
	_ =	strace $0x9FFFFFFF  }
0xc3: {  	(tm) =	ssettm $0x7FFFFFFF  }
tec
execute0_lowered:
.L_overlay_start_1:
0x0: {  	(tag) =	ssettag $0x1  }
0x1: {  	s0 =	rddreg [dreg:$0x0]  }
0x2: {  	s10 =	rddreg [dreg:$0x1]  }
0x3: {  	s1 =	rddreg [dreg:$0x2];
	s13 =	simm.s32 $0x0  }
0x4: {  	s4 =	stileid.u32;
	s2 =	srdreg.scid;
	s17 =	simm.s32 $0x3  }
0x5: {  	s19 =	simm.s32 $0x1;
	s20 =	simm.s32 $0x2;
	[smem:$0x7FF] =	sst s13  }
0x6: {  	s3 =	smul.u32 $0x1B880, s4;
	s2 =	sand.u32 $0x1, s2;
	s5 =	sadd.s32 $0x180800, s0  }
0x7: {  	s11 =	smul.u32 $0x19800, s4;
	s6 =	sadd.s32 $0x800, s0;
	s9 =	sshll.u32 s4, $0x6  }
0x8: {  	s14 =	sadd.s32 $0x400, s0;
	s15 =	sadd.s32 $0x180400, s0;
	_ =	strace $0x80000047  }
0x9: {  	[dreg:$0x5] =	wrdreg s2;
	s2 =	ssub.s32 $0x2, s2;
	s9 =	sor.u32 $0x1C03, s9  }
0xa: {  	s7 =	sshrl.u32 s3, $0x3;
	s8 =	sshrl.u32 s2, $0x1;
	s3 =	sadd.s32 s3, s1  }
0xb: {  	s30 =	sshrl.u32 s11, $0x3;
	s11 =	sadd.s32 s11, s1;
	s7 =	sadd.s32 s7, s0  }
0xc: {  	s2 =	ssub.s32 s2, s8;
	s10 =	sadd.s32 s10, s30;
	s8 =	smul.u32 $0x1B800, s4  }
0xd: {  	s16 =	sshrl.u32 s3, $0x3;
	s7 =	sadd.s32 $0x300800, s7;
	s31 =	smax.u32 s2, $0x1  }
0xe: {  	s10 =	sadd.s32 $0x5CD000, s10;
	s12 =	sadd.s32 s8, s1;
	[dreg:$0x6] =	wrdreg s31  }
.LBB2_1:
0xf: {  	[dreg:$0x4] =	wrdreg s13;
	s21 =	simm.s32 $0x0  }
.LBB2_2:
0x10: {  	s0 =	sshll.u32 s21, $0x1;
	s1 =	rddreg [dreg:$0x5]  }
0x11: {  	s23 =	sor.u32 s1, s0  }
0x12: {  	s22 =	smul.u32 $0x1B8000, s23  }
0x13: {  	[spmem:s16], [sflag:s9] =	dma.local [hbm:s7], $0x3710  }
0x14: {  	s3 =	sadd.s32 $0xFE9B7FFF, s22  }
0x15: {  	s0 =	simm.s32 $0xC0000;
	p0 =	slt.u32 s3, $0x1B7FFF  }
0x16: {  	s4 =	stileid.u32;
	s0 =	simm.s32 @!p0 $0x60000  }
0x17: {  	s24 =	simm.s32 $0x0;
	p0 =	slt.u32 s21, $0x7;
	s25 =	smul.u32 s4, s0  }
0x18: {  	_ =	swait.ge [sflag:s17], $0x3710;
	s24 =	simm.s32 @!p0 $0x600000  }
0x19: {  	[sflag:s17] =	ssyncset.done $0x0;
	s1 =	sadd.s32 s24, s25  }
0x1a: {  	[sflag:s17] =	ssyncadd.s32 $0xFFFFC8F0;
	s2 =	sshrl.u32 s1, $0x3  }
0x1b: {  	s28 =	simm.s32 $0x0;
	[bflag:$0x0] =	sbarrier.arrive $0xFFFF;
	s3 =	sadd.s32 s5, s2  }
0x1c: {  	[tilespmem:s28], [sflag:$0x1] =	stream.linear.gather [hbm4b:s3+s28], $0x1000, $0x38;
	[tilespmem:$0x1F880] =	vst v63  }
0x1d: {  	s13 =	simm.s32 $0x2000;
	s2 =	sadd.s32 s6, s2  }
0x1e: {  	[tilespmem:s13], [sflag:$0x1] =	stream.linear.gather [hbm4b:s2+s28], $0x1000, $0x38;
	[tilespmem:$0x1F880] =	vst v63  }
0x1f: {  	_ =	swait.ge [sflag:s19], $0x1000  }
0x20: {  	s26 =	sshrl.u32 s0, $0xC;
	[sflag:s19] =	ssyncset.done $0x0  }
0x21: {  	p0 =	sle.u32 s26, $0x1;
	s18 =	sor.u32 $0x1000, s1;
	[sflag:s19] =	ssyncadd.s32 $0xFFFFF000  }
0x22: {  	s3 =	simm.s32 @!p0 $0x0;
	s2 =	sshrl.u32 s18, $0x3;
	_ =	swait.ge [sflag:s19], $0x1000  }
0x23: {  	s13 =	simm.s32 @!p0 $0x1000;
	s29 =	sadd.s32 s2, s5;
	[sflag:s19] =	ssyncset.done $0x0  }
0x24: {  	s30 =	sadd.s32 s2, s6;
	s2 =	sadd.s32 @!p0 $0x0, s29;
	[sflag:s19] =	ssyncadd.s32 $0xFFFFF000  }
0x25: {  	[tilespmem:s13], [sflag:$0x2] =	stream.linear.gather @!p0 [hbm4b:s2+s3], $0x1000, $0x38;
	[tilespmem:$0x1F880] =	vst v63  }
0x26: {  	s0 =	sshrl.u32 s0, $0xD;
	s2 =	sadd.s32 @!p0 $0x0, s30;
	s13 =	simm.s32 @!p0 $0x3000  }
0x27: {  	[tilespmem:s13], [sflag:$0x2] =	stream.linear.gather @!p0 [hbm4b:s2+s3], $0x1000, $0x38;
	[tilespmem:$0x1F880] =	vst v63  }
0x28: {  	s0 =	sadd.s32 $0xFFFFFFFF, s0;
	p1 =	sle.u32 s26, $0x2;
	_ =	swait.ge [sflag:s20], $0x1000  }
0x29: {  	s0 =	sadd.s32 $0xFFFFFFFF, s0;
	s1 =	sor.u32 $0x2000, s1;
	[sflag:s20] =	ssyncset.done $0x0  }
0x2a: {  	s1 =	sshrl.u32 s1, $0x3;
	p0 =	sne.s32 s0, $0x0;
	[sflag:s20] =	ssyncadd.s32 $0xFFFFF000  }
.Ltmp0:
0x2b: {  	s31 =	sadd.s32 s1, s5;
	_ =	swait.ge [sflag:s20], $0x1000;
	(pc) =	sbr.rel @!p0 .LBB2_4-.Ltmp0, $4  }
0x2c: {  	s3 =	sadd.s32 @!p1 $0x0, s31;
	[sflag:s20] =	ssyncset.done $0x0  }
0x2d: {  	s2 =	simm.s32 @!p1 $0x0;
	s13 =	sadd.s32 s1, s6;
	[sflag:s20] =	ssyncadd.s32 $0xFFFFF000  }
0x2e: {  	[tilespmem:s2], [sflag:$0x1] =	stream.linear.gather @!p1 [hbm4b:s3+s2], $0x1000, $0x38;
	[tilespmem:$0x1F880] =	vst v63  }
0x2f: {  	s18 =	simm.s32 @!p1 $0x2000;
	s1 =	sadd.s32 @!p1 $0x0, s13;
	s3 =	simm.s32 $0x2  }
.LBB2_3:
0x30: {  	s0 =	sadd.s32 $0xFFFFFFFF, s0;
	s28 =	sadd.s32 $0x400, s28;
	s3 =	sadd.s32 $0x2, s3  }
0x31: {  	[tilespmem:s18], [sflag:$0x1] =	stream.linear.gather @!p1 [hbm4b:s1+s2], $0x1000, $0x38;
	[tilespmem:$0x1F880] =	vst v63  }
0x32: {  	p0 =	sne.s32 s0, $0x0;
	_ =	swait.ge [sflag:s19], $0x1000  }
0x33: {  	[sflag:s19] =	ssyncset.done $0x0  }
0x34: {  	s1 =	sadd.s32 $0xFFFFFFFF, s3;
	[sflag:s19] =	ssyncadd.s32 $0xFFFFF000  }
0x35: {  	p1 =	sge.u32 s1, s26;
	_ =	swait.ge [sflag:s19], $0x1000  }
0x36: {  	s1 =	sadd.s32 @!p1 s28, s29;
	s2 =	simm.s32 @!p1 $0x0;
	[sflag:s19] =	ssyncset.done $0x0  }
0x37: {  	s18 =	simm.s32 @!p1 $0x1000;
	s4 =	sadd.s32 @!p1 s28, s30;
	[sflag:s19] =	ssyncadd.s32 $0xFFFFF000  }
0x38: {  	[tilespmem:s18], [sflag:$0x2] =	stream.linear.gather @!p1 [hbm4b:s1+s2], $0x1000, $0x38;
	[tilespmem:$0x1F880] =	vst v63  }
0x39: {  	s1 =	simm.s32 @!p1 $0x3000  }
0x3a: {  	[tilespmem:s1], [sflag:$0x2] =	stream.linear.gather @!p1 [hbm4b:s4+s2], $0x1000, $0x38;
	[tilespmem:$0x1F880] =	vst v63  }
0x3b: {  	_ =	swait.ge [sflag:s20], $0x1000  }
0x3c: {  	[sflag:s20] =	ssyncset.done $0x0  }
.Ltmp1:
0x3d: {  	[sflag:s20] =	ssyncadd.s32 $0xFFFFF000;
	(pc) =	sbr.rel @p0 .LBB2_3-.Ltmp1, $4  }
0x3e: {  	p1 =	sge.u32 s3, s26;
	_ =	swait.ge [sflag:s20], $0x1000  }
0x3f: {  	s4 =	sadd.s32 @!p1 s28, s31;
	s2 =	simm.s32 @!p1 $0x0;
	[sflag:s20] =	ssyncset.done $0x0  }
0x40: {  	s1 =	sadd.s32 @!p1 s28, s13;
	s18 =	simm.s32 @!p1 $0x2000;
	[sflag:s20] =	ssyncadd.s32 $0xFFFFF000  }
0x41: {  	[tilespmem:s2], [sflag:$0x1] =	stream.linear.gather @!p1 [hbm4b:s4+s2], $0x1000, $0x38;
	[tilespmem:$0x1F880] =	vst v63  }
.LBB2_4:
0x42: {  	s0 =	sadd.s32 $0x2, s3  }
0x43: {  	[tilespmem:s18], [sflag:$0x1] =	stream.linear.gather @!p1 [hbm4b:s1+s2], $0x1000, $0x38;
	[tilespmem:$0x1F880] =	vst v63  }
0x44: {  	s31 =	sadd.s32 $0xFFFFFFFF, s0  }
0x45: {  	_ =	swait.ge [sflag:s19], $0x1000;
	p0 =	sge.u32 s31, s26  }
0x46: {  	[sflag:s19] =	ssyncset.done $0x0;
	s1 =	sadd.s32 @!p0 s25, s24  }
0x47: {  	s2 =	sadd.s32 $0x400, s28;
	[sflag:s19] =	ssyncadd.s32 $0xFFFFF000;
	s1 =	sadd.s32 @!p0 $0x3000, s1  }
0x48: {  	s4 =	simm.s32 @!p0 $0x0;
	_ =	swait.ge [sflag:s19], $0x1000;
	s1 =	sshrl.u32 @!p0 s1, $0x3  }
0x49: {  	s13 =	simm.s32 @!p0 $0x1000;
	[sflag:s19] =	ssyncset.done $0x0;
	s3 =	sadd.s32 @!p0 s1, s15  }
0x4a: {  	[sflag:s19] =	ssyncadd.s32 $0xFFFFF000;
	s1 =	sadd.s32 @!p0 s1, s14;
	s3 =	sadd.s32 @!p0 s2, s3  }
0x4b: {  	[tilespmem:s13], [sflag:$0x2] =	stream.linear.gather @!p0 [hbm4b:s3+s4], $0x1000, $0x38;
	[tilespmem:$0x1F880] =	vst v63  }
0x4c: {  	s1 =	sadd.s32 @!p0 s2, s1;
	s3 =	simm.s32 @!p0 $0x3000  }
0x4d: {  	[tilespmem:s3], [sflag:$0x2] =	stream.linear.gather @!p0 [hbm4b:s1+s4], $0x1000, $0x38;
	[tilespmem:$0x1F880] =	vst v63  }
0x4e: {  	p0 =	sge.u32 s0, s26;
	_ =	swait.ge [sflag:s20], $0x1000  }
0x4f: {  	s0 =	sadd.s32 @!p0 s25, s24;
	[sflag:s20] =	ssyncset.done $0x0  }
0x50: {  	s0 =	sadd.s32 @!p0 $0x4000, s0;
	[sflag:s20] =	ssyncadd.s32 $0xFFFFF000  }
0x51: {  	s0 =	sshrl.u32 @!p0 s0, $0x3;
	_ =	swait.ge [sflag:s20], $0x1000  }
0x52: {  	s3 =	simm.s32 @!p0 $0x0;
	s1 =	sadd.s32 @!p0 s0, s15;
	[sflag:s20] =	ssyncset.done $0x0  }
0x53: {  	s0 =	sadd.s32 @!p0 s0, s14;
	s1 =	sadd.s32 @!p0 s2, s1;
	[sflag:s20] =	ssyncadd.s32 $0xFFFFF000  }
0x54: {  	[tilespmem:s3], [sflag:$0x1] =	stream.linear.gather @!p0 [hbm4b:s1+s3], $0x1000, $0x38;
	[tilespmem:$0x1F880] =	vst v63  }
0x55: {  	s0 =	sadd.s32 @!p0 s2, s0;
	s1 =	simm.s32 @!p0 $0x2000  }
0x56: {  	[tilespmem:s1], [sflag:$0x1] =	stream.linear.gather @!p0 [hbm4b:s0+s3], $0x1000, $0x38;
	[tilespmem:$0x1F880] =	vst v63  }
0x57: {  	p0 =	sgt.u32 s23, $0x1A  }
0x58: {  	[bflag:$0x0] =	sbarrier.arrive $0xFFFF;
	s0 =	sshrl.u32 @p0 s11, $0x3  }
0x59: {  	[hbm:s10], [sflag:s9] =	dma.local @p0 [spmem:s0], $0x3300  }
0x5a: {  	s0 =	simm.s32 @p0 $0x3  }
0x5b: {  	_ =	swait.ge @p0 [sflag:s0], $0x3300  }
0x5c: {  	[sflag:s0] =	ssyncset.done @p0 $0x0  }
0x5d: {  	s1 =	sadd.s32 @!p0 s8, s22;
	[sflag:s0] =	ssyncadd.s32 @p0 $0xFFFFCD00  }
0x5e: {  	s1 =	sshrl.u32 @!p0 s1, $0x3;
	s0 =	rddreg [dreg:$0x1]  }
0x5f: {  	s0 =	sadd.s32 @!p0 s0, s1;
	s1 =	sshrl.u32 @!p0 s12, $0x3  }
0x60: {  	[hbm:s0], [sflag:s9] =	dma.local @!p0 [spmem:s1], $0x3700  }
0x61: {  	s0 =	simm.s32 @!p0 $0x3  }
0x62: {  	_ =	swait.ge @!p0 [sflag:s0], $0x3700  }
0x63: {  	s21 =	sadd.s32 $0x1, s21;
	[sflag:s0] =	ssyncset.done @!p0 $0x0  }
0x64: {  	[sflag:s0] =	ssyncadd.s32 @!p0 $0xFFFFC900;
	p0 =	sne.s32 s21, $0xE  }
.Ltmp2:
0x65: {  	_ = 	snop;
	(pc) =	sbr.rel @p0 .LBB2_2-.Ltmp2, $2  }
0x66: {  	_ =	sdelay $0x1  }
0x67: {  	[bflag:$0x0] =	sbarrier.arrive $0xFFFF;
	_ =	sdelay $0x1  }
0x68: {  	s13 =	rddreg [dreg:$0x4]  }
0x69: {  	s0 =	rddreg [dreg:$0x6];
	s13 =	sadd.s32 $0x1, s13  }
0x6a: {  	p0 =	sne.s32 s13, s0  }
.Ltmp3:
0x6b: {  	_ = 	snop;
	(pc) =	sbr.rel @p0 .LBB2_1-.Ltmp3, $1  }
0x6c: {  	_ =	sdelay $0x3  }
0x6d: {  	_ =	sfence.sel $0x180000  }
0x6e: {  	[bflag:$0x0] =	sbarrier.arrive $0xFFFF  }
0x6f: {  	_ =	strace $0x90000047  }
0x70: {  	s0 =	stileid.u32;
	[bflag:$0x2] =	sbarrier.arrive $0xFFFF  }
0x71: {  	p0 =	sne.s32 s0, $0x0;
	s0 =	rddreg [dreg:$0x3]  }
0x72: {  	s0 =	sadd.s32 @!p0 $0x100000, s0  }
0x73: {  	[sflag:s0] =	ssyncadd.tile.s32 @!p0 $0x1;
	_ =	shalt  }
.Lfunc_end2:
_tile_overlayer_lowered:
.L_overlay_start_2:
0x74: {  	(tag) =	ssettag $0x2  }
0x75: {  	s0 =	rddreg [dreg:$0x0];
	s2 =	stileid.u32  }
0x76: {  	s1 =	rddreg [dreg:$0x1];
	p0 =	sne.s32 s2, $0x0  }
0x77: {  	s3 =	rddreg [dreg:$0x2];
	[bflag:$0x3] =	sbarrier.arrive $0xFFFF;
	s2 =	simm.s32 @!p0 $0x1C03  }
0x78: {  	[timem:s3], [sflag:s2] =	dma.local @!p0 [hbm:s0], s1  }
0x79: {  	s0 =	simm.s32 @!p0 $0x3  }
0x7a: {  	_ =	swait.ge @!p0 [sflag:s0], s1  }
0x7b: {  	s1 =	ssub.s32 @!p0 $0x0, s1;
	[sflag:s0] =	ssyncset.done @!p0 $0x0  }
0x7c: {  	[sflag:s0] =	ssyncadd.s32 @!p0 s1  }
0x7d: {  	[bflag:$0x3] =	sbarrier.arrive $0xFFFF  }
0x7e: {  	_ =	shalt  }

// kernel: sparse-core-data-format-call.cloned.1.call-start
scs
called_computation_lowered:
.L_overlay_start_0:
0x0: {  	s2 =	sld [smem:$0x3FD9]  }
0x1: {  	s3 =	sld [smem:$0x3FFE];
	_ =	sdelay $0x1  }
0x2: {  	s1 =	srdreg.scid  }
0x3: {  	s0 =	sand.u32 $0x1, s1  }
0x4: {  	s18 =	sshll.u32 s0, $0xA;
	s2 =	sadd.s32 s3, s2  }
0x5: {  	s2 =	sadd.s32 s2, s18  }
0x6: {  	[smem:$0x3FC6] =	sst s2  }
0x7: {  	_ = 	snop  }
0x8: {  	s2 =	sld [smem:$0x3FD0];
	(tm) =	ssettm $0x1  }
0x9: {  	s19 =	sld [smem:$0x3FFB];
	_ =	sdelay $0x3  }
0xa: {  	_ =	strace s19  }
0xb: {  	s3 =	sld [smem:$0x3FFC];
	_ =	sdelay $0x3  }
0xc: {  	_ =	strace s3  }
0xd: {  	s3 =	sld [smem:$0x3FFD];
	_ =	sdelay $0x3  }
0xe: {  	_ =	strace s3  }
0xf: {  	_ =	strace $0x8FFFFFFF  }
0x10: {  	s20 =	sld [smem:$0x3FDB];
	_ =	sdelay $0x1  }
0x11: {  	s4 =	simm.s32 $_scs_section_size  }
0x12: {  	s5 =	simm.s32 $_size__tile_overlayer_lowered;
	s6 =	simm.s32 $_tile_overlayer_lowered  }
0x13: {  	s23 =	simm.s32 $0x1BFF;
	s22 =	sshll.u32 s6, $0x1;
	s3 =	sadd.s32 s4, s20  }
0x14: {  	s7 =	simm.s32 $0x0;
	s21 =	sshll.u32 s5, $0x1;
	s5 =	sadd.s32 s22, s3  }
0x15: {  	[timem:s7], [sflag:s23] =	dma.local [hbm:s5], s21  }
0x16: {  	_ =	swait.ge [sflag:s23], s21  }
0x17: {  	s4 =	ssub.s32 $0x0, s21;
	[sflag:s23] =	ssyncset.done $0x0  }
0x18: {  	[sflag:s23] =	ssyncadd.s32 s4;
	_ =	sdelay $0x1  }
0x19: {  	s24 =	simm.s32 $0x1B8B  }
0x1a: {  	_ =	swait.ge [sflag:s24], $0x1  }
0x1b: {  	[sflag:s24] =	ssyncset.done $0x0  }
0x1c: {  	s26 =	simm.s32 $0x1B8E;
	s25 =	sld [smem:$0x3FFE];
	[sflag:s24] =	ssyncadd.s32 $0xFFFFFFFF  }
0x1d: {  	s27 =	simm.s32 $execute0_lowered;
	[smem:$0x3FD2] =	sst s26  }
0x1e: {  	s5 =	sshll.u32 s27, $0x1;
	_ =	strace $0x80000049;
	[dreg:$0x1] =	wrdreg $0xFFFFFFFF  }
0x1f: {  	s28 =	simm.s32 $_size_execute0_lowered;
	s3 =	sadd.s32 s3, s5;
	[dreg:$0x0] =	wrdreg $0x0  }
0x20: {  	s5 =	sshll.u32 s28, $0x1;
	[dreg:$0x2] =	wrdreg s3  }
0x21: {  	[dreg:$0x3] =	wrdreg s5  }
0x22: {  	[dreg:$0x4] =	wrdreg $0xC0  }
0x23: {  	_ =	task [dreg:s7], $0x5FFFF  }
0x24: {  	[dreg:$0x1] =	wrdreg $0xFFFFFFFF  }
0x25: {  	[dreg:$0x0] =	wrdreg $0x60  }
0x26: {  	[dreg:$0x2] =	wrdreg s25  }
0x27: {  	[dreg:$0x3] =	wrdreg s2  }
0x28: {  	[dreg:$0x4] =	wrdreg $0x9  }
0x29: {  	_ =	task.clear_ibuf [dreg:s7], $0x5FFFF;
	_ =	strace $0x90000049  }
0x2a: {  	s29 =	simm.s32 $0x9;
	_ =	strace $0x8000004B  }
0x2b: {  	_ =	swait.ge [sflag:s29], $0x1  }
0x2c: {  	[sflag:s29] =	ssyncadd.s32 $0xFFFFFFFF  }
0x2d: {  	_ =	strace $0x9000004B  }
0x2e: {  	_ =	sfence  }
0x2f: {  	s30 =	sld [smem:$0x0];
	_ =	sdelay $0x2  }
0x30: {  	s31 =	sshll.u32 s1, $0xD;
	s1 =	sshrl.u32 s1, $0x2  }
0x31: {  	s3 =	sand.u32 $0x4000, s31;
	s1 =	sadd.s32 s1, s30  }
0x32: {  	s0 =	sor.u32 s3, s0;
	s1 =	sshll.u32 s1, $0x11  }
0x33: {  	s0 =	sor.u32 s1, s0  }
0x34: {  	s0 =	sadd.s32 $0x8F2B, s0  }
0x35: {  	[sflag:s0] =	ssyncadd.remote.s32 $0x1  }
0x36: {  	_ =	sfence.sel $0xFFFF  }
0x37: {  	[dreg:$0x0] =	wrdreg $0xFFFFFFFF;
	(pc) =	sbr.abs _section_cstart, $3  }
0x38: {  	[dreg:$0x1] =	wrdreg $0xFFFFFFFF  }
0x39: {  	_ =	task.clear_ibuf [dreg:s7], $0x2FFFF;
	_ =	strace $0x9FFFFFFF  }
0x3a: {  	(tm) =	ssettm $0x7FFFFFFF  }
0x3b: {  	_ =	shalt  }
tec
execute0_lowered:
.L_overlay_start_1:
0x0: {  	(tag) =	ssettag $0x1  }
0x1: {  	s4 =	rddreg [dreg:$0x0]  }
0x2: {  	s2 =	rddreg [dreg:$0x1]  }
0x3: {  	s0 =	rddreg [dreg:$0x2]  }
0x4: {  	s1 =	stileid.u32;
	s3 =	srdreg.scid  }
0x5: {  	_ =	strace $0x8000004A;
	s31 =	simm.s32 $0x2;
	s17 =	simm.s32 $0x0  }
0x6: {  	p0 =	por $0x0, $0x0;
	s9 =	simm.s32 $0x1000;
	s18 =	simm.s32 $0x0  }
0x7: {  	s19 =	simm.s32 $0x0;
	s10 =	simm.s32 $0x0;
	s11 =	simm.s32 $0x0  }
0x8: {  	s12 =	simm.s32 $0x0;
	s13 =	simm.s32 $0x0;
	s16 =	simm.s32 $0x0  }
0x9: {  	s5 =	sshll.u32 s3, $0x4;
	s3 =	sand.u32 $0x1, s1;
	s4 =	sadd.s32 $0x800, s4  }
.Ltmp0:
0xa: {  	s5 =	sand.u32 $0x10, s5;
	s6 =	ssub.s32 $0x2, s3;
	(pc) =	sbr.rel .LBB1_1-.Ltmp0, $4  }
0xb: {  	s15 =	smov.u32 s3;
	s7 =	sshrl.u32 s6, $0x1;
	s8 =	sand.u32 $0x1, s6  }
0xc: {  	s5 =	sor.u32 s1, s5;
	s6 =	simm.s32 $0x1;
	s7 =	sadd.s32 s8, s7  }
0xd: {  	s5 =	sshrl.u32 s5, $0x1;
	[sflag:s6] =	ssyncpa.u1 $0x0;
	s7 =	sshll.u32 s7, $0x7  }
0xe: {  	[sflag:s31] =	ssyncpa.u1 $0x0;
	s14 =	smov.u32 s5;
	s8 =	sor.u32 $0x1, s7  }
.LBB1_4:
0xf: {  	s24 =	sshra.s32 s24, $0x2;
	s28 =	sshrl.u32 s10, $0x6  }
0x10: {  	p1 =	sgt.s32 s12, $0x1;
	s25 =	smov.u32 s12;
	s26 =	sshra.s32 s12, $0x1F  }
0x11: {  	s29 =	sshra.s32 s11, $0x1F;
	p2 =	sgt.s32 s10, $0x180;
	s31 =	sshra.s32 s10, $0x1F  }
0x12: {  	s23 =	sadd.s32 s24, s23;
	s24 =	sand.u32 $0x7FFFFE, s28;
	s25 =	simm.s32 @!p1 $0x1  }
0x13: {  	s26 =	sand.u32 s26, s12;
	p1 =	sgt.s32 s11, $0x1FF;
	s28 =	smov.u32 s11  }
0x14: {  	s29 =	sand.u32 s29, s11;
	s26 =	sxor.u32 $0xFFFFFFFF, s26;
	s28 =	simm.s32 @!p1 $0x1FF  }
0x15: {  	v5 =	vld [tilespmem:s21+$0xFFFFFFD0];
	[tilespmem:s22+$0x2040 ss:$0x81] =	vst.msk $0xffff, v4;
	s27 =	smulhi.u32 $0x2AAAAAB, s24;
	s25 =	sadd.s32 s26, s25;
	s26 =	ssub.s32 s28, s29  }
0x16: {  	v58 =	vld [tilespmem:s21+$0xFFFFFFE0];
	[tilespmem:s22+$0x2850 ss:$0x81] =	vst.msk $0xffff, v3;
	s28 =	smov.u32 s10;
	s29 =	sand.u32 s31, s10;
	s31 =	smul.u32 $0x300000, s12  }
0x17: {  	v59 =	vld [tilespmem:s21+$0xFFFFFFF0];
	[tilespmem:s22+$0x3060 ss:$0x81] =	vst.msk $0xffff, v2;
	p1 =	sgt.s32 s25, $0x0;
	s25 =	ssub.s32 $0x1, s25;
	s30 =	sadd.s32 $0xFFFFFE01, s26  }
0x18: {  	[tilespmem:s22+$0x0 ss:$0x81] =	vst.msk $0xffff, v1;
	v60 =	vld [tilespmem:s21+$0x0];
	s28 =	simm.s32 @!p2 $0x180;
	s22 =	smul.u32 $0x60, s27;
	s26 =	ssub.s32 $0x200, s26  }
0x19: {  	v61 =	vld [tilespmem:s21+$0x10];
	[tilespmem:s23+$0x3870 ss:$0x81] =	vst.msk $0xffff, v0;
	p2 =	sgt.s32 s30, $0x0;
	s25 =	smul.u32 $0x60, s25;
	s27 =	ssub.s32 s28, s29  }
0x1a: {  	v62 =	vld [tilespmem:s21+$0x20];
	[tilespmem:s23+$0x810 ss:$0x81] =	vst.msk $0xffff, v5;
	s28 =	sshrl.u32 s10, $0x3;
	s26 =	simm.s32 @p2 $0x0;
	s30 =	sadd.s32 $0xFFFFFE80, s27  }
0x1b: {  	v63 =	vld [tilespmem:s21+$0xFFFFFFC0];
	[tilespmem:s23+$0x1020 ss:$0x81] =	vst.msk $0xffff, v58;
	s21 =	ssub.s32 $0x200, s27;
	s27 =	smul.u32 $0x1800, s11;
	s25 =	simm.s32 @p1 $0x0  }
0x1c: {  	[tilespmem:s23+$0x1830 ss:$0x81] =	vst.msk $0xffff, v59;
	s29 =	sand.u32 $0x7, s10;
	p1 =	sgt.s32 s30, $0x7F;
	s25 =	smul.u32 s26, s25  }
0x1d: {  	[tilespmem:s23+$0x2040 ss:$0x81] =	vst.msk $0xffff, v60;
	s22 =	ssub.s32 s24, s22;
	s21 =	simm.s32 @p1 $0x0;
	s26 =	sadd.s32 s2, s31  }
0x1e: {  	[tilespmem:s23+$0x2850 ss:$0x81] =	vst.msk $0xffff, v61;
	s24 =	sadd.s32 s27, s26;
	s21 =	smul.u32 s21, s25;
	s25 =	sand.u32 $0xF, s28  }
0x1f: {  	[tilespmem:s23+$0x3060 ss:$0x81] =	vst.msk $0xffff, v62;
	s22 =	sshll.u32 s22, $0x6;
	s30 =	sshll.u32 s29, $0x12;
	s24 =	sadd.s32 s25, s24  }
0x20: {  	[tilespmem:s23+$0x0 ss:$0x81] =	vst.msk $0xffff, v63;
	s31 =	sor.u32 $0x400, s30;
	s21 =	sand.u32 $0x3FFFFFE0, s21;
	s22 =	sadd.s32 s22, s24  }
0x21: {  	[hbm4b:s22+s31] =	stream.strided.scatter [tilespmem:s20], [sflag:$0x2], s21, s9, s31, $0x20;
	[tilespmem:$0x10100] =	vst v63  }
.LBB1_5:
0x22: {  	p1 =	slt.u32 s16, $0x2;
	s21 =	smov.u32 s19  }
0x23: {  	p2 =	sgt.s32 @!p1 s19, $0x1;
	s20 =	sshra.s32 @!p1 s19, $0x1F;
	s22 =	sshra.s32 @!p1 s17, $0x1F  }
0x24: {  	p2 =	por !p2, p1;
	s19 =	sand.u32 @!p1 s20, s19;
	s20 =	smov.u32 s18  }
0x25: {  	s21 =	simm.s32 @p2 $0x1;
	s19 =	sxor.u32 @!p1 $0xFFFFFFFF, s19;
	p2 =	sgt.s32 @!p1 s18, $0x1FF  }
0x26: {  	s19 =	sadd.s32 @!p1 s19, s21;
	p3 =	por !p2, p1;
	s21 =	sshra.s32 @!p1 s18, $0x1F  }
0x27: {  	p2 =	sgt.s32 @!p1 s19, $0x0;
	s20 =	simm.s32 @p3 $0x1FF;
	s18 =	sand.u32 @!p1 s21, s18  }
0x28: {  	s19 =	ssub.s32 @!p1 $0x1, s19;
	p3 =	sgt.s32 @!p1 s17, $0x180;
	s21 =	smov.u32 s17  }
0x29: {  	s17 =	sand.u32 @!p1 s22, s17;
	s18 =	ssub.s32 @!p1 s20, s18;
	p3 =	por !p3, p1  }
0x2a: {  	s19 =	smul.u32 @!p1 $0x60, s19;
	s20 =	sadd.s32 @!p1 $0xFFFFFE01, s18;
	s21 =	simm.s32 @p3 $0x180  }
0x2b: {  	p2 =	por !p2, p1;
	p3 =	sgt.s32 @!p1 s20, $0x0;
	s17 =	ssub.s32 @!p1 s21, s17  }
0x2c: {  	s18 =	ssub.s32 @!p1 $0x200, s18;
	p3 =	por !p3, p1;
	s20 =	sadd.s32 @!p1 $0xFFFFFE80, s17  }
0x2d: {  	s19 =	simm.s32 @!p2 $0x0;
	s18 =	simm.s32 @!p3 $0x0;
	p3 =	sgt.s32 @!p1 s20, $0x7F  }
0x2e: {  	s17 =	ssub.s32 @!p1 $0x200, s17;
	p2 =	por !p3, p1;
	s18 =	smul.u32 @!p1 s18, s19  }
0x2f: {  	s21 =	smov.u32 s14;
	s20 =	sadd.s32 $0x80, s13;
	s17 =	simm.s32 @!p2 $0x0  }
0x30: {  	p2 =	sgt.s32 s20, $0x1FF;
	s17 =	smul.u32 @!p1 s17, s18;
	s18 =	sadd.s32 $0x10, s14  }
0x31: {  	s21 =	smov.u32 @p2 s18  }
0x32: {  	s23 =	smov.u32 s15;
	s18 =	sadd.s32 $0x2, s15;
	p3 =	sgt.s32 s21, $0x1FF  }
0x33: {  	p0 =	por !p0, !p0;
	s22 =	simm.s32 @!p1 $0x2;
	s23 =	smov.u32 @p3 s18  }
0x34: {  	s19 =	smov.u32 s12;
	s20 =	simm.s32 @p2 $0x0;
	p2 =	sgt.s32 s23, $0x1  }
0x35: {  	s17 =	sand.u32 @!p1 $0x3FFFFFE0, s17;
	s23 =	smov.u32 @p2 s3;
	p2 =	sne.s32 s16, s8  }
.Ltmp1:
0x36: {  	s12 =	smov.u32 s15;
	_ =	swait.ge @!p1 [sflag:s22], s17;
	(pc) =	sbr.rel @!p2 .LBB1_6-.Ltmp1, $4  }
0x37: {  	s24 =	ssub.s32 @!p1 $0x0, s17;
	s21 =	smov.u32 @p3 s5;
	s17 =	smov.u32 s10  }
0x38: {  	s18 =	smov.u32 s11;
	s10 =	smov.u32 s13;
	s11 =	smov.u32 s14  }
0x39: {  	s13 =	smov.u32 s20;
	[sflag:s22] =	ssyncset.done @!p1 $0x0;
	s14 =	smov.u32 s21  }
0x3a: {  	s16 =	sadd.s32 $0x1, s16;
	[sflag:s22] =	ssyncadd.s32 @!p1 s24;
	s15 =	smov.u32 s23  }
.LBB1_1:
0x3b: {  	p1 =	sge.u32 s16, s7  }
0x3c: {  	s31 =	sadd.s32 $0xFFFFFFFF, s16;
	s20 =	sxor.u32 @!p1 $0xFFFFFFFF, s16;
	s21 =	sshll.u32 @!p1 s15, $0x16  }
0x3d: {  	s22 =	sshll.u32 @!p1 s14, $0xD;
	s23 =	sshll.u32 @!p1 s13, $0x4;
	s21 =	sadd.s32 @!p1 s4, s21  }
0x3e: {  	s20 =	sshll.u32 @!p1 s20, $0xE;
	s23 =	sand.u32 @!p1 $0x1FF0, s23;
	s21 =	sadd.s32 @!p1 s22, s21  }
0x3f: {  	s20 =	sand.u32 @!p1 $0x4000, s20;
	s22 =	simm.s32 @!p1 $0x0;
	s21 =	sadd.s32 @!p1 s23, s21  }
0x40: {  	[tilespmem:s20], [sflag:$0x1] =	stream.linear.gather @!p1 [hbm4b:s21+s22], $0x4000, $0x38;
	[tilespmem:$0x10100] =	vst v63  }
0x41: {  	p1 =	sge.u32 s31, s7  }
.Ltmp2:
0x42: {  	_ = 	snop;
	(pc) =	sbr.rel @p1 .LBB1_5-.Ltmp2, $1  }
0x43: {  	_ =	sdelay $0x3  }
0x44: {  	s20 =	simm.s32 $0x1  }
0x45: {  	_ =	swait.ge [sflag:s6], $0x4000;
	s20 =	simm.s32 @!p0 $0x0  }
0x46: {  	[sflag:s6] =	ssyncset.done $0x0;
	s21 =	sshll.u32 s20, $0xE  }
0x47: {  	[sflag:s6] =	ssyncadd.s32 $0xFFFFC000;
	s21 =	sor.u32 $0x40, s21  }
0x48: {  	s20 =	smul.u32 $0x10200, s20;
	v0 =	vld [tilespmem:s21+$0x30]  }
0x49: {  	v1 =	vld [tilespmem:s21+$0xFFFFFFD0]  }
0x4a: {  	s20 =	sshrl.u32 s20, $0x2;
	v5 =	vld [tilespmem:s21+$0xFFFFFFE0]  }
0x4b: {  	v6 =	vld [tilespmem:s21+$0xFFFFFFF0];
	s23 =	sor.u32 $0x8000, s20  }
0x4c: {  	s31 =	sand.u32 $0x1, s16;
	v4 =	vld [tilespmem:s21+$0x0];
	s22 =	sadd.s32 $0x0, s23  }
0x4d: {  	v3 =	vld [tilespmem:s21+$0x10];
	s20 =	smul.u32 $0x10200, s31;
	[tilespmem:s22+$0x3870 ss:$0x81] =	vst.msk $0xffff, v0  }
0x4e: {  	v2 =	vld [tilespmem:s21+$0x20];
	[tilespmem:s22+$0x810 ss:$0x81] =	vst.msk $0xffff, v1  }
0x4f: {  	s20 =	sshrl.u32 s20, $0x2;
	v1 =	vld [tilespmem:s21+$0xFFFFFFC0];
	[tilespmem:s22+$0x1020 ss:$0x81] =	vst.msk $0xffff, v5;
	s21 =	sadd.s32 $0x80, s21  }
0x50: {  	s24 =	simm.s32 $0x4;
	s25 =	simm.s32 $0x8;
	s20 =	sor.u32 $0x8000, s20;
	[tilespmem:s22+$0x1830 ss:$0x81] =	vst.msk $0xffff, v6;
	v0 =	vld [tilespmem:s21+$0x30]  }
.LBB1_3:
0x51: {  	p1 =	sne.s32 s25, $0x1FC;
	v5 =	vld [tilespmem:s21+$0xFFFFFFD0];
	[tilespmem:s22+$0x2040 ss:$0x81] =	vst.msk $0xffff, v4  }
0x52: {  	v6 =	vld [tilespmem:s21+$0xFFFFFFE0];
	[tilespmem:s22+$0x2850 ss:$0x81] =	vst.msk $0xffff, v3  }
0x53: {  	s26 =	sshra.s32 s24, $0x2;
	s24 =	smov.u32 s25;
	v7 =	vld [tilespmem:s21+$0xFFFFFFF0];
	[tilespmem:s22+$0x3060 ss:$0x81] =	vst.msk $0xffff, v2  }
.Ltmp3:
0x54: {  	v4 =	vld [tilespmem:s21+$0x0];
	[tilespmem:s22+$0x0 ss:$0x81] =	vst.msk $0xffff, v1;
	s22 =	sadd.s32 s26, s23;
	(pc) =	sbr.rel @p1 .LBB1_3-.Ltmp3, $4  }
0x55: {  	v3 =	vld [tilespmem:s21+$0x10];
	[tilespmem:s22+$0x3870 ss:$0x81] =	vst.msk $0xffff, v0  }
0x56: {  	[tilespmem:s22+$0x810 ss:$0x81] =	vst.msk $0xffff, v5;
	v2 =	vld [tilespmem:s21+$0x20]  }
0x57: {  	v1 =	vld [tilespmem:s21+$0xFFFFFFC0];
	[tilespmem:s22+$0x1020 ss:$0x81] =	vst.msk $0xffff, v6;
	s21 =	sadd.s32 $0x80, s21  }
0x58: {  	s25 =	sadd.s32 $0x4, s25;
	v0 =	vld [tilespmem:s21+$0x30];
	[tilespmem:s22+$0x1830 ss:$0x81] =	vst.msk $0xffff, v7  }
.Ltmp4:
0x59: {  	_ = 	snop;
	(pc) =	sbr.rel .LBB1_4-.Ltmp4, $1  }
0x5a: {  	_ =	sdelay $0x3  }
.LBB1_6:
0x5b: {  	_ =	sfence.sel $0x180000  }
0x5c: {  	s2 =	simm.s32 $0x1;
	[bflag:$0x0] =	sbarrier.arrive $0xFFFF  }
0x5d: {  	s31 =	simm.s32 $0x2;
	[sflag:s2] =	ssyncpa.u1 $0x1  }
0x5e: {  	[sflag:s31] =	ssyncpa.u1 $0x1  }
0x5f: {  	p0 =	sne.s32 s1, $0x0;
	_ =	strace $0x9000004A  }
0x60: {  	s0 =	sadd.s32 @!p0 $0x100000, s0;
	[bflag:$0x2] =	sbarrier.arrive $0xFFFF  }
0x61: {  	[sflag:s0] =	ssyncadd.tile.s32 @!p0 $0x1;
	_ =	shalt  }
.Lfunc_end1:
_tile_overlayer_lowered:
.L_overlay_start_2:
0x62: {  	(tag) =	ssettag $0x2  }
0x63: {  	s0 =	rddreg [dreg:$0x0];
	s2 =	stileid.u32  }
0x64: {  	s1 =	rddreg [dreg:$0x1];
	p0 =	sne.s32 s2, $0x0  }
0x65: {  	s3 =	rddreg [dreg:$0x2];
	[bflag:$0x3] =	sbarrier.arrive $0xFFFF;
	s2 =	simm.s32 @!p0 $0x1C01  }
0x66: {  	[timem:s3], [sflag:s2] =	dma.local @!p0 [hbm:s0], s1  }
0x67: {  	s0 =	simm.s32 @!p0 $0x1  }
0x68: {  	_ =	swait.ge @!p0 [sflag:s0], s1  }
0x69: {  	s1 =	ssub.s32 @!p0 $0x0, s1;
	[sflag:s0] =	ssyncset.done @!p0 $0x0  }
0x6a: {  	[sflag:s0] =	ssyncadd.s32 @!p0 s1  }
0x6b: {  	[bflag:$0x3] =	sbarrier.arrive $0xFFFF  }
0x6c: {  	_ =	shalt  }

</sc_bundles>
